<compile_context>
chip_gen: v7x
topology: tpu7x:2x2x1
jax: 0.10.2.dev20260603
libtpu: 0.0.44.dev20260713+nightly
codegen_flags: <defaults>
</compile_context>

<pallas_src>
import functools

import jax
import jax.numpy as jnp
from jax import lax
from jax.experimental import pallas as pl
from jax.experimental.pallas import tpu as pltpu
from jax.experimental.pallas import tpu_sc as plsc

_C = 1.0
_MIN_NORM = 1e-15
_BALL_EPS = 4e-3
_MAXNORM = (1.0 - _BALL_EPS)
_ATANH_MAXNORM = 3.1063671188198696

_NC = 2
_NS = 16
_NW = _NC * _NS
_ECHUNK = 128


def _artanh(x):
    x = jnp.clip(x, -1.0 + 1e-7, 1.0 - 1e-7)
    return 0.5 * (jnp.log1p(x) - jnp.log1p(-x))


def _rnorm(x):
    return jnp.clip(
        jnp.sqrt(jnp.sum(x * x, axis=-1, keepdims=True)), _MIN_NORM, None
    )


def _proj(x):
    norm = _rnorm(x)
    return jnp.where(norm > _MAXNORM, x / norm * _MAXNORM, x)


def _expmap0(u):
    u_norm = _rnorm(u)
    return jnp.tanh(u_norm) * u / u_norm


def _logmap0(p):
    p_norm = _rnorm(p)
    return _artanh(p_norm) / p_norm * p


def _mobius_add(x, y):
    x2 = jnp.sum(x * x, axis=-1, keepdims=True)
    y2 = jnp.sum(y * y, axis=-1, keepdims=True)
    xy = jnp.sum(x * y, axis=-1, keepdims=True)
    num = (1.0 + 2.0 * xy + y2) * x + (1.0 - x2) * y
    denom = 1.0 + 2.0 * xy + x2 * y2
    return num / jnp.clip(denom, _MIN_NORM, None)




def _pre_body(x_ref, w_ref, b_ref, out_ref):
    x = x_ref[...]
    w = w_ref[...]
    b = b_ref[...]
    u = _rnorm(x)
    m0 = lax.dot_general(
        x, w, (((1,), (1,)), ((), ())),
        preferred_element_type=jnp.float32,
    )
    mu2 = jnp.sum(m0 * m0, axis=-1, keepdims=True)
    mu = jnp.clip(jnp.sqrt(mu2), _MIN_NORM, None)
    r = jnp.tanh(mu / u * jnp.minimum(u, _ATANH_MAXNORM))
    rho = jnp.minimum(r, _MAXNORM)
    rho = jnp.where(mu2 == 0.0, 0.0, rho)
    hyp_b = _proj(_expmap0(b))
    g = rho / mu
    x2 = rho * rho
    y2 = jnp.sum(hyp_b * hyp_b, axis=-1, keepdims=True)
    xy = g * lax.dot_general(
        m0, hyp_b, (((1,), (1,)), ((), ())),
        preferred_element_type=jnp.float32,
    )
    num = ((1.0 + 2.0 * xy + y2) * g) * m0 + (1.0 - x2) * hyp_b
    denom = 1.0 + 2.0 * xy + x2 * y2
    h = num / jnp.clip(denom, _MIN_NORM, None)
    hn = _rnorm(h)
    pn = jnp.minimum(hn, _MAXNORM)
    f = _artanh(pn) / pn * jnp.where(hn > _MAXNORM, _MAXNORM / hn, 1.0)
    out_ref[...] = f * h


def _stage_pre(x, w, b2d, blk):
    n, d = x.shape
    grid = n // blk
    return pl.pallas_call(
        _pre_body,
        grid=(grid,),
        in_specs=[
            pl.BlockSpec((blk, d), lambda i: (i, 0)),
            pl.BlockSpec((d, d), lambda i: (0, 0)),
            pl.BlockSpec((1, d), lambda i: (0, 0)),
        ],
        out_specs=pl.BlockSpec((blk, d), lambda i: (i, 0)),
        out_shape=jax.ShapeDtypeStruct((n, d), jnp.float32),
    )(x, w, b2d)




def _make_seg_sum(n_acc, d, rows_per_w):
    acc_per_s = n_acc // _NS
    n_pairs = rows_per_w // 2
    tail = rows_per_w - 2 * n_pairs
    if rows_per_w % 8 == 0:
        buf_rows = rows_per_w
    else:
        buf_rows = ((rows_per_w + 14) // 8) * 8
    mesh = plsc.VectorSubcoreMesh(core_axis_name="c", subcore_axis_name="s")

    @functools.partial(
        pl.kernel,
        out_type=jax.ShapeDtypeStruct((_NC, n_acc, d), jnp.float32),
        mesh=mesh,
        scratch_types=[
            pltpu.VMEM((buf_rows, _ECHUNK), jnp.int32),
            pltpu.VMEM((_ECHUNK,), jnp.int32),
            pltpu.VMEM((_ECHUNK,), jnp.int32),
            pltpu.VMEM((_ECHUNK, d), jnp.float32),
            pltpu.VMEM((_ECHUNK, d), jnp.float32),
            pltpu.VMEM_SHARED((n_acc, d), jnp.float32),
            pltpu.SemaphoreType.DMA,
            pltpu.SemaphoreType.DMA,
            pltpu.SemaphoreType.DMA,
            pltpu.SemaphoreType.DMA,
            pltpu.SemaphoreType.DMA,
        ],
    )
    def seg_sum(xt_hbm, src_hbm, dst_hbm, zeros_hbm, out_hbm,
                src_v, dst_v0, dst_v1, rows0, rows1, acc,
                isem, dsem0, dsem1, gsem0, gsem1):
        cid = lax.axis_index("c")
        sid = lax.axis_index("s")
        wid = cid * _NS + sid
        base = rows_per_w * wid
        abase = (base // 8) * 8
        off = base - abase
        icp = pltpu.async_copy(
            src_hbm.at[pl.ds(abase, buf_rows)], src_v, isem)
        pltpu.sync_copy(zeros_hbm, acc.at[pl.ds(sid * acc_per_s, acc_per_s)])
        icp.wait()
        plsc.subcore_barrier()

        if n_pairs:
            pltpu.async_copy(dst_hbm.at[base], dst_v0, dsem0)
            pltpu.async_copy(xt_hbm.at[src_v.at[off]], rows0, gsem0)

        def body(j, carry):
            i = 2 * j
            pltpu.async_copy(dst_hbm.at[base + i + 1], dst_v1, dsem1)
            pltpu.async_copy(xt_hbm.at[src_v.at[off + i + 1]], rows1, gsem1)
            pltpu.make_async_copy(xt_hbm.at[src_v.at[off + i]], rows0, gsem0).wait()
            pltpu.make_async_copy(dst_hbm.at[base + i], dst_v0, dsem0).wait()
            pltpu.sync_copy(rows0, acc.at[dst_v0], add=True)

            @pl.when(j + 1 < n_pairs)
            def _():
                pltpu.async_copy(dst_hbm.at[base + i + 2], dst_v0, dsem0)
                pltpu.async_copy(xt_hbm.at[src_v.at[off + i + 2]], rows0, gsem0)

            pltpu.make_async_copy(
                xt_hbm.at[src_v.at[off + i + 1]], rows1, gsem1).wait()
            pltpu.make_async_copy(
                dst_hbm.at[base + i + 1], dst_v1, dsem1).wait()
            pltpu.sync_copy(rows1, acc.at[dst_v1], add=True)
            return carry

        lax.fori_loop(0, n_pairs, body, 0)
        if tail:
            i_t = 2 * n_pairs
            pltpu.async_copy(dst_hbm.at[base + i_t], dst_v0, dsem0)
            pltpu.async_copy(xt_hbm.at[src_v.at[off + i_t]], rows0, gsem0)
            pltpu.make_async_copy(
                xt_hbm.at[src_v.at[off + i_t]], rows0, gsem0).wait()
            pltpu.make_async_copy(dst_hbm.at[base + i_t], dst_v0, dsem0).wait()
            pltpu.sync_copy(rows0, acc.at[dst_v0], add=True)
        plsc.subcore_barrier()
        pltpu.sync_copy(
            acc.at[pl.ds(sid * acc_per_s, acc_per_s)],
            out_hbm.at[cid, pl.ds(sid * acc_per_s, acc_per_s)],
        )

    return seg_sum




def _post_body(p_ref, out_ref):
    s = p_ref[0] + p_ref[1]
    rs = jax.nn.relu(s)
    sn = _rnorm(s)
    rn = jnp.sqrt(jnp.sum(rs * rs, axis=-1, keepdims=True))
    kappa = jnp.minimum(sn, _ATANH_MAXNORM) / sn
    xn = jnp.clip(kappa * rn, _MIN_NORM, None)
    a2 = jnp.minimum(jnp.tanh(xn), _MAXNORM)
    out_ref[...] = (a2 / xn * kappa) * rs


def _stage_post(partials, n, blk):
    nc, n_acc, d = partials.shape
    grid = n // blk
    return pl.pallas_call(
        _post_body,
        grid=(grid,),
        in_specs=[pl.BlockSpec((nc, blk, d), lambda i: (0, i, 0))],
        out_specs=pl.BlockSpec((blk, d), lambda i: (i, 0)),
        out_shape=jax.ShapeDtypeStruct((n, d), jnp.float32),
    )(partials)




def kernel(x, edge_index, W, b):
    n, d = x.shape
    e = edge_index.shape[1]
    src = edge_index[0]
    dst = edge_index[1]

    grain = _NW * _ECHUNK
    e_pad = ((e + grain - 1) // grain) * grain
    rows_per_w = e_pad // (_NW * _ECHUNK)
    e_buf = e_pad if rows_per_w % 8 == 0 else e_pad + 8 * _ECHUNK
    _ALIGN = _NS * 8
    n_acc = ((n + _ALIGN - 1) // _ALIGN) * _ALIGN
    if e_buf != e:
        pad = e_buf - e
        ar = jnp.arange(pad, dtype=jnp.int32)
        pad_src = ar % n
        pad_dst = n_acc + (ar % 128)
        n_acc += 128
        src = jnp.concatenate([src, pad_src])
        dst = jnp.concatenate([dst, pad_dst])
    src2 = src.reshape(e_buf // _ECHUNK, _ECHUNK)
    dst2 = dst.reshape(e_buf // _ECHUNK, _ECHUNK)

    x_t = _stage_pre(x, W, b.reshape(1, -1), blk=2000)

    zeros = jnp.zeros((n_acc // _NS, d), jnp.float32)
    seg = _make_seg_sum(n_acc, d, rows_per_w)
    partials = seg(x_t, src2, dst2, zeros)

    return _stage_post(partials, n, blk=2000)

# --- scband reference (transcript-rebuilt; emitter-appended) ---
"""Pipeline reference for scband-hgcn-9603546874199 (READ-ONLY COPY).

The authoritative reference and input builder live on the scoring server;
editing this copy changes nothing except your own understanding.
"""

import jax, jax.numpy as jnp
import numpy as np

N = 10000
E = 320000
D_IN = 128
D_OUT = 128
C = 1.0
MIN_NORM = 1e-15
BALL_EPS = 4e-3


def artanh(x):
    x = jnp.clip(x, -1.0 + 1e-7, 1.0 - 1e-7)
    return 0.5 * (jnp.log1p(x) - jnp.log1p(-x))


def proj(x, c):
    norm = jnp.clip(jnp.linalg.norm(x, axis=-1, keepdims=True), MIN_NORM, None)
    maxnorm = (1.0 - BALL_EPS) / (c ** 0.5)
    cond = norm > maxnorm
    projected = x / norm * maxnorm
    return jnp.where(cond, projected, x)


def expmap0(u, c):
    sqrt_c = c ** 0.5
    u_norm = jnp.clip(jnp.linalg.norm(u, axis=-1, keepdims=True), MIN_NORM, None)
    return jnp.tanh(sqrt_c * u_norm) * u / (sqrt_c * u_norm)


def logmap0(p, c):
    sqrt_c = c ** 0.5
    p_norm = jnp.clip(jnp.linalg.norm(p, axis=-1, keepdims=True), MIN_NORM, None)
    scale = artanh(sqrt_c * p_norm) / (sqrt_c * p_norm)
    return scale * p


def mobius_add(x, y, c):
    x2 = jnp.sum(x * x, axis=-1, keepdims=True)
    y2 = jnp.sum(y * y, axis=-1, keepdims=True)
    xy = jnp.sum(x * y, axis=-1, keepdims=True)
    num = (1.0 + 2.0 * c * xy + c * y2) * x + (1.0 - c * x2) * y
    denom = 1.0 + 2.0 * c * xy + (c ** 2) * x2 * y2
    return num / jnp.clip(denom, MIN_NORM, None)


def mobius_matvec(m, x, c):
    sqrt_c = c ** 0.5
    x_norm = jnp.clip(jnp.linalg.norm(x, axis=-1, keepdims=True), MIN_NORM, None)
    mx = x @ m.T
    mx_norm = jnp.clip(jnp.linalg.norm(mx, axis=-1, keepdims=True), MIN_NORM, None)
    res_c = jnp.tanh(mx_norm / x_norm * artanh(sqrt_c * x_norm)) * mx / (mx_norm * sqrt_c)
    cond = jnp.all(mx == 0, axis=-1, keepdims=True)
    return jnp.where(cond, jnp.zeros_like(res_c), res_c)


def setup_inputs(seed: int = 0) -> dict:
    key = jax.random.key(seed)
    k1, k2, k3, k4 = jax.random.split(key, 4)
    x = jax.random.normal(k1, (N, D_IN), dtype=jnp.float32)
    edge_index = jax.random.randint(k2, (2, E), 0, N).astype(jnp.int32)
    W = jax.random.normal(k3, (D_OUT, D_IN), dtype=jnp.float32) * (1.0 / np.sqrt(D_IN))
    b = jax.random.normal(k4, (D_OUT,), dtype=jnp.float32) * 0.01
    return {"x": x, "edge_index": edge_index, "W": W, "b": b}


def reference(x, edge_index, W, b):
    c = C
    # Encoder preamble: proj_tan0 is identity on PoincareBall
    x_hyp = proj(expmap0(x, c), c)
    # HypLinear (dropout=0)
    mv = mobius_matvec(W, x_hyp, c)
    res = proj(mv, c)
    hyp_b = proj(expmap0(b.reshape(1, -1), c), c)
    res = proj(mobius_add(res, hyp_b, c), c)
    # HypAgg: log to tangent at origin, spmm(adj, x_t) as scatter-add over edges, exp back
    x_t = logmap0(res, c)
    src = edge_index[0]
    dst = edge_index[1]
    support_t = jax.ops.segment_sum(jnp.take(x_t, src, axis=0), dst, num_segments=N)
    out = proj(expmap0(support_t, c), c)
    # HypAct: relu in tangent space, remap (c_in == c_out == C)
    xt = jax.nn.relu(logmap0(out, c))
    out = proj(expmap0(xt, c), c)
    return out

if __name__ == "__main__":
    import jax
    _d = setup_inputs()
    print(jax.jit(kernel)(*tuple(_d.values())))

</pallas_src>

<mosaic_0001>
#map = affine_map<(d0, d1) -> (0, 0)>
#map1 = affine_map<(d0, d1) -> (0, 0, 0)>
module attributes {stable_mosaic.version = 14 : i64} {
  func.func @seg_sum(%arg0: i32, %arg1: i32, %arg2: memref<10000x128xf32, #tpu.memory_space<hbm>>, %arg3: memref<2536x128xi32, #tpu.memory_space<hbm>>, %arg4: memref<2536x128xi32, #tpu.memory_space<hbm>>, %arg5: memref<640x128xf32, #tpu.memory_space<hbm>>, %arg6: memref<2x10240x128xf32, #tpu.memory_space<hbm>>, %arg7: memref<88x128xi32, #tpu.memory_space<vmem>>, %arg8: memref<128xi32, #tpu.memory_space<vmem>>, %arg9: memref<128xi32, #tpu.memory_space<vmem>>, %arg10: memref<128x128xf32, #tpu.memory_space<vmem>>, %arg11: memref<128x128xf32, #tpu.memory_space<vmem>>, %arg12: memref<10240x128xf32, #tpu.memory_space<vmem_shared>>, %arg13: memref<!tpu.dma_semaphore, #tpu.memory_space<semaphore_mem>>, %arg14: memref<!tpu.dma_semaphore, #tpu.memory_space<semaphore_mem>>, %arg15: memref<!tpu.dma_semaphore, #tpu.memory_space<semaphore_mem>>, %arg16: memref<!tpu.dma_semaphore, #tpu.memory_space<semaphore_mem>>, %arg17: memref<!tpu.dma_semaphore, #tpu.memory_space<semaphore_mem>>) attributes {dimension_semantics = [#tpu.dimension_semantics<core_parallel>, #tpu.dimension_semantics<subcore_parallel>], iteration_bounds = array<i64: 2, 16>, scalar_prefetch = 0 : i64, scratch_operands = 11 : i64, tpu.core_type = #tpu.core_type<sc_vector_subcore>, window_params = [{transform_indices = #map}, {transform_indices = #map}, {transform_indices = #map}, {transform_indices = #map}, {transform_indices = #map1}]} {
    %mul3A = arith.constant 16 : i32
    %mul3A_0 = arith.muli %arg0, %mul3A : i32
    %add3A = arith.addi %mul3A_0, %arg1 : i32
    %mul3A_1 = arith.constant 79 : i32
    %mul3A_2 = arith.muli %mul3A_1, %add3A : i32
    %jit3A = arith.constant 8 : i32
    %div3A = arith.divsi %mul3A_2, %jit3A : i32
    %sign3A = arith.constant 0 : i32
    %sign3A_3 = arith.cmpi sgt, %mul3A_2, %sign3A : i32
    %sign3A_4 = arith.extui %sign3A_3 : i1 to i32
    %sign3A_5 = arith.constant 0 : i32
    %sign3A_6 = arith.cmpi slt, %mul3A_2, %sign3A_5 : i32
    %sign3A_7 = arith.extui %sign3A_6 : i1 to i32
    %sign3A_8 = arith.subi %sign3A_4, %sign3A_7 : i32
    %sign3A_9 = arith.constant 0 : i32
    %sign3A_10 = arith.cmpi sgt, %jit3A, %sign3A_9 : i32
    %sign3A_11 = arith.extui %sign3A_10 : i1 to i32
    %sign3A_12 = arith.constant 0 : i32
    %sign3A_13 = arith.cmpi slt, %jit3A, %sign3A_12 : i32
    %sign3A_14 = arith.extui %sign3A_13 : i1 to i32
    %sign3A_15 = arith.subi %sign3A_11, %sign3A_14 : i32
    %ne3A = arith.cmpi ne, %sign3A_8, %sign3A_15 : i32
    %rem3A = arith.remsi %mul3A_2, %jit3A : i32
    %ne3A_16 = arith.constant 0 : i32
    %ne3A_17 = arith.cmpi ne, %rem3A, %ne3A_16 : i32
    %and3A = arith.andi %ne3A, %ne3A_17 : i1
    %sub3A = arith.constant 1 : i32
    %sub3A_18 = arith.subi %div3A, %sub3A : i32
    %select_n3A = arith.select %and3A, %sub3A_18, %div3A : i32
    %mul3A_19 = arith.constant 8 : i32
    %mul3A_20 = arith.muli %select_n3A, %mul3A_19 : i32
    %sub3A_21 = arith.subi %mul3A_2, %mul3A_20 : i32
    %dma_start3A = arith.constant 0 : i32
    %dma_start3A_22 = tpu.memref_slice %arg3[%mul3A_20, %dma_start3A] : memref<2536x128xi32, #tpu.memory_space<hbm>> -> memref<88x128xi32, #tpu.memory_space<hbm>>
    %dma_start3A_23 = arith.constant 0 : i32
    %dma_start3A_24 = tpu.memref_slice %arg3[%mul3A_20, %dma_start3A_23] : memref<2536x128xi32, #tpu.memory_space<hbm>> -> memref<88x128xi32, #tpu.memory_space<hbm>>
    tpu.enqueue_dma source(%dma_start3A_24 : memref<88x128xi32, #tpu.memory_space<hbm>>) target(%arg7 : memref<88x128xi32, #tpu.memory_space<vmem>>) target_semaphore(%arg13 : memref<!tpu.dma_semaphore, #tpu.memory_space<semaphore_mem>>)
    %mul3A_25 = arith.constant 640 : i32
    %mul3A_26 = arith.muli %arg1, %mul3A_25 : i32
    "tpu.region"() ({
      %run_scoped3A = tpu.sem_alloc : memref<!tpu.dma_semaphore, #tpu.memory_space<semaphore_mem>>
      %dma_start3A_84 = arith.constant 0 : i32
      %dma_start3A_85 = tpu.memref_slice %arg12[%mul3A_26, %dma_start3A_84] : memref<10240x128xf32, #tpu.memory_space<vmem_shared>> -> memref<640x128xf32, #tpu.memory_space<vmem_shared>>
      tpu.enqueue_dma source(%arg5 : memref<640x128xf32, #tpu.memory_space<hbm>>) target(%dma_start3A_85 : memref<640x128xf32, #tpu.memory_space<vmem_shared>>) target_semaphore(%run_scoped3A : memref<!tpu.dma_semaphore, #tpu.memory_space<semaphore_mem>>)
      %dma_wait3A_86 = arith.constant 0 : i32
      %dma_wait3A_87 = tpu.memref_slice %arg12[%mul3A_26, %dma_wait3A_86] : memref<10240x128xf32, #tpu.memory_space<vmem_shared>> -> memref<640x128xf32, #tpu.memory_space<vmem_shared>>
      tpu.wait_dma2 semaphore(%run_scoped3A : memref<!tpu.dma_semaphore, #tpu.memory_space<semaphore_mem>>) src(%arg5 : memref<640x128xf32, #tpu.memory_space<hbm>>) dst(%dma_wait3A_87 : memref<640x128xf32, #tpu.memory_space<vmem_shared>>)
      tpu.yield
    }) : () -> ()
    %dma_wait3A = arith.constant 0 : i32
    %dma_wait3A_27 = tpu.memref_slice %arg3[%mul3A_20, %dma_wait3A] : memref<2536x128xi32, #tpu.memory_space<hbm>> -> memref<88x128xi32, #tpu.memory_space<hbm>>
    %dma_wait3A_28 = arith.constant 0 : i32
    %dma_wait3A_29 = tpu.memref_slice %arg3[%mul3A_20, %dma_wait3A_28] : memref<2536x128xi32, #tpu.memory_space<hbm>> -> memref<88x128xi32, #tpu.memory_space<hbm>>
    tpu.wait_dma2 semaphore(%arg13 : memref<!tpu.dma_semaphore, #tpu.memory_space<semaphore_mem>>) src(%dma_wait3A_29 : memref<88x128xi32, #tpu.memory_space<hbm>>) dst(%arg7 : memref<88x128xi32, #tpu.memory_space<vmem>>)
    %barrier3A = arith.constant 0 : index
    tpu.barrier barrier_id(%barrier3A)
    %dma_start3A_30 = arith.constant 0 : i32
    %dma_start3A_31 = tpu.memref_slice %arg4[%mul3A_2, %dma_start3A_30] : memref<2536x128xi32, #tpu.memory_space<hbm>> -> memref<1x128xi32, #tpu.memory_space<hbm>>
    %dma_start3A_32 = tpu.memref_squeeze %dma_start3A_31 : memref<1x128xi32, #tpu.memory_space<hbm>> -> memref<128xi32, #tpu.memory_space<hbm>>
    %dma_start3A_33 = arith.constant 0 : i32
    %dma_start3A_34 = tpu.memref_slice %arg4[%mul3A_2, %dma_start3A_33] : memref<2536x128xi32, #tpu.memory_space<hbm>> -> memref<1x128xi32, #tpu.memory_space<hbm>>
    %dma_start3A_35 = tpu.memref_squeeze %dma_start3A_34 : memref<1x128xi32, #tpu.memory_space<hbm>> -> memref<128xi32, #tpu.memory_space<hbm>>
    tpu.enqueue_dma source(%dma_start3A_35 : memref<128xi32, #tpu.memory_space<hbm>>) target(%arg8 : memref<128xi32, #tpu.memory_space<vmem>>) target_semaphore(%arg14 : memref<!tpu.dma_semaphore, #tpu.memory_space<semaphore_mem>>)
    %dma_start3A_36 = arith.constant 0 : i32
    %dma_start3A_37 = tpu.memref_slice %arg7[%sub3A_21, %dma_start3A_36] : memref<88x128xi32, #tpu.memory_space<vmem>> -> memref<1x128xi32, #tpu.memory_space<vmem>>
    %dma_start3A_38 = tpu.memref_squeeze %dma_start3A_37 : memref<1x128xi32, #tpu.memory_space<vmem>> -> memref<128xi32, #tpu.memory_space<vmem>>
    %dma_start3A_39 = arith.constant 0 : i32
    %dma_start3A_40 = arith.constant 0 : i32
    %dma_start3A_41 = tpu.memref_slice %arg2[%dma_start3A_39, %dma_start3A_40] : memref<10000x128xf32, #tpu.memory_space<hbm>> -> memref<10000x128xf32, #tpu.memory_space<hbm>>
    tpu.enqueue_indirect_dma source(%dma_start3A_41 : memref<10000x128xf32, #tpu.memory_space<hbm>>) target(%arg10 : memref<128x128xf32, #tpu.memory_space<vmem>>) offsets(%dma_start3A_38 : memref<128xi32, #tpu.memory_space<vmem>>) semaphore(%arg16 : memref<!tpu.dma_semaphore, #tpu.memory_space<semaphore_mem>>)
    %scan3A = arith.constant 0 : i32
    %scan3A_42 = arith.constant 0 : i32
    %scan3A_43 = arith.constant 39 : i32
    %scan3A_44 = arith.addi %scan3A_42, %scan3A_43 : i32
    %scan3A_45 = arith.constant 1 : i32
    scf.for %scan3A_84 = %scan3A_42 to %scan3A_44 step %scan3A_45  : i32 {
      %mul3A_85 = arith.constant 2 : i32
      %mul3A_86 = arith.muli %mul3A_85, %scan3A_84 : i32
      %add3A_87 = arith.addi %mul3A_2, %mul3A_86 : i32
      %add3A_88 = arith.constant 1 : i32
      %add3A_89 = arith.addi %add3A_87, %add3A_88 : i32
      %dma_start3A_90 = arith.constant 0 : i32
      %dma_start3A_91 = tpu.memref_slice %arg4[%add3A_89, %dma_start3A_90] : memref<2536x128xi32, #tpu.memory_space<hbm>> -> memref<1x128xi32, #tpu.memory_space<hbm>>
      %dma_start3A_92 = tpu.memref_squeeze %dma_start3A_91 : memref<1x128xi32, #tpu.memory_space<hbm>> -> memref<128xi32, #tpu.memory_space<hbm>>
      %dma_start3A_93 = arith.constant 0 : i32
      %dma_start3A_94 = tpu.memref_slice %arg4[%add3A_89, %dma_start3A_93] : memref<2536x128xi32, #tpu.memory_space<hbm>> -> memref<1x128xi32, #tpu.memory_space<hbm>>
      %dma_start3A_95 = tpu.memref_squeeze %dma_start3A_94 : memref<1x128xi32, #tpu.memory_space<hbm>> -> memref<128xi32, #tpu.memory_space<hbm>>
      tpu.enqueue_dma source(%dma_start3A_95 : memref<128xi32, #tpu.memory_space<hbm>>) target(%arg9 : memref<128xi32, #tpu.memory_space<vmem>>) target_semaphore(%arg15 : memref<!tpu.dma_semaphore, #tpu.memory_space<semaphore_mem>>)
      %add3A_96 = arith.addi %sub3A_21, %mul3A_86 : i32
      %add3A_97 = arith.constant 1 : i32
      %add3A_98 = arith.addi %add3A_96, %add3A_97 : i32
      %dma_start3A_99 = arith.constant 0 : i32
      %dma_start3A_100 = tpu.memref_slice %arg7[%add3A_98, %dma_start3A_99] : memref<88x128xi32, #tpu.memory_space<vmem>> -> memref<1x128xi32, #tpu.memory_space<vmem>>
      %dma_start3A_101 = tpu.memref_squeeze %dma_start3A_100 : memref<1x128xi32, #tpu.memory_space<vmem>> -> memref<128xi32, #tpu.memory_space<vmem>>
      %dma_start3A_102 = arith.constant 0 : i32
      %dma_start3A_103 = arith.constant 0 : i32
      %dma_start3A_104 = tpu.memref_slice %arg2[%dma_start3A_102, %dma_start3A_103] : memref<10000x128xf32, #tpu.memory_space<hbm>> -> memref<10000x128xf32, #tpu.memory_space<hbm>>
      tpu.enqueue_indirect_dma source(%dma_start3A_104 : memref<10000x128xf32, #tpu.memory_space<hbm>>) target(%arg11 : memref<128x128xf32, #tpu.memory_space<vmem>>) offsets(%dma_start3A_101 : memref<128xi32, #tpu.memory_space<vmem>>) semaphore(%arg17 : memref<!tpu.dma_semaphore, #tpu.memory_space<semaphore_mem>>)
      %add3A_105 = arith.addi %sub3A_21, %mul3A_86 : i32
      %dma_wait3A_106 = arith.constant 0 : i32
      %dma_wait3A_107 = tpu.memref_slice %arg7[%add3A_105, %dma_wait3A_106] : memref<88x128xi32, #tpu.memory_space<vmem>> -> memref<1x128xi32, #tpu.memory_space<vmem>>
      %dma_wait3A_108 = tpu.memref_squeeze %dma_wait3A_107 : memref<1x128xi32, #tpu.memory_space<vmem>> -> memref<128xi32, #tpu.memory_space<vmem>>
      %dma_wait3A_109 = arith.constant 0 : i32
      %dma_wait3A_110 = arith.constant 0 : i32
      %dma_wait3A_111 = tpu.memref_slice %arg2[%dma_wait3A_109, %dma_wait3A_110] : memref<10000x128xf32, #tpu.memory_space<hbm>> -> memref<10000x128xf32, #tpu.memory_space<hbm>>
      tpu.wait_indirect_dma semaphore(%arg16 : memref<!tpu.dma_semaphore, #tpu.memory_space<semaphore_mem>>) src(%dma_wait3A_111 : memref<10000x128xf32, #tpu.memory_space<hbm>>) dst(%arg10 : memref<128x128xf32, #tpu.memory_space<vmem>>)
      %add3A_112 = arith.addi %mul3A_2, %mul3A_86 : i32
      %dma_wait3A_113 = arith.constant 0 : i32
      %dma_wait3A_114 = tpu.memref_slice %arg4[%add3A_112, %dma_wait3A_113] : memref<2536x128xi32, #tpu.memory_space<hbm>> -> memref<1x128xi32, #tpu.memory_space<hbm>>
      %dma_wait3A_115 = tpu.memref_squeeze %dma_wait3A_114 : memref<1x128xi32, #tpu.memory_space<hbm>> -> memref<128xi32, #tpu.memory_space<hbm>>
      %dma_wait3A_116 = arith.constant 0 : i32
      %dma_wait3A_117 = tpu.memref_slice %arg4[%add3A_112, %dma_wait3A_116] : memref<2536x128xi32, #tpu.memory_space<hbm>> -> memref<1x128xi32, #tpu.memory_space<hbm>>
      %dma_wait3A_118 = tpu.memref_squeeze %dma_wait3A_117 : memref<1x128xi32, #tpu.memory_space<hbm>> -> memref<128xi32, #tpu.memory_space<hbm>>
      tpu.wait_dma2 semaphore(%arg14 : memref<!tpu.dma_semaphore, #tpu.memory_space<semaphore_mem>>) src(%dma_wait3A_118 : memref<128xi32, #tpu.memory_space<hbm>>) dst(%arg8 : memref<128xi32, #tpu.memory_space<vmem>>)
      "tpu.region"() ({
        %run_scoped3A = tpu.sem_alloc : memref<!tpu.dma_semaphore, #tpu.memory_space<semaphore_mem>>
        %dma_start3A_141 = arith.constant 0 : i32
        %dma_start3A_142 = arith.constant 0 : i32
        %dma_start3A_143 = tpu.memref_slice %arg12[%dma_start3A_141, %dma_start3A_142] : memref<10240x128xf32, #tpu.memory_space<vmem_shared>> -> memref<10240x128xf32, #tpu.memory_space<vmem_shared>>
        tpu.enqueue_indirect_dma source(%arg10 : memref<128x128xf32, #tpu.memory_space<vmem>>) target(%dma_start3A_143 : memref<10240x128xf32, #tpu.memory_space<vmem_shared>>) offsets(%arg8 : memref<128xi32, #tpu.memory_space<vmem>>) semaphore(%run_scoped3A : memref<!tpu.dma_semaphore, #tpu.memory_space<semaphore_mem>>) {add = true}
        %dma_wait3A_144 = arith.constant 0 : i32
        %dma_wait3A_145 = arith.constant 0 : i32
        %dma_wait3A_146 = tpu.memref_slice %arg12[%dma_wait3A_144, %dma_wait3A_145] : memref<10240x128xf32, #tpu.memory_space<vmem_shared>> -> memref<10240x128xf32, #tpu.memory_space<vmem_shared>>
        tpu.wait_indirect_dma semaphore(%run_scoped3A : memref<!tpu.dma_semaphore, #tpu.memory_space<semaphore_mem>>) src(%arg10 : memref<128x128xf32, #tpu.memory_space<vmem>>) dst(%dma_wait3A_146 : memref<10240x128xf32, #tpu.memory_space<vmem_shared>>)
        tpu.yield
      }) : () -> ()
      %add3A_119 = arith.constant 1 : i32
      %add3A_120 = arith.addi %scan3A_84, %add3A_119 : i32
      %lt3A = arith.constant 39 : i32
      %lt3A_121 = arith.cmpi slt, %add3A_120, %lt3A : i32
      %convert_element_type3A = arith.extui %lt3A_121 : i1 to i32
      %cond3A = arith.constant 0 : i32
      %cond3A_122 = arith.cmpi ne, %convert_element_type3A, %cond3A : i32
      scf.if %cond3A_122 {
        %add3A_141 = arith.addi %mul3A_2, %mul3A_86 : i32
        %add3A_142 = arith.constant 2 : i32
        %add3A_143 = arith.addi %add3A_141, %add3A_142 : i32
        %dma_start3A_144 = arith.constant 0 : i32
        %dma_start3A_145 = tpu.memref_slice %arg4[%add3A_143, %dma_start3A_144] : memref<2536x128xi32, #tpu.memory_space<hbm>> -> memref<1x128xi32, #tpu.memory_space<hbm>>
        %dma_start3A_146 = tpu.memref_squeeze %dma_start3A_145 : memref<1x128xi32, #tpu.memory_space<hbm>> -> memref<128xi32, #tpu.memory_space<hbm>>
        %dma_start3A_147 = arith.constant 0 : i32
        %dma_start3A_148 = tpu.memref_slice %arg4[%add3A_143, %dma_start3A_147] : memref<2536x128xi32, #tpu.memory_space<hbm>> -> memref<1x128xi32, #tpu.memory_space<hbm>>
        %dma_start3A_149 = tpu.memref_squeeze %dma_start3A_148 : memref<1x128xi32, #tpu.memory_space<hbm>> -> memref<128xi32, #tpu.memory_space<hbm>>
        tpu.enqueue_dma source(%dma_start3A_149 : memref<128xi32, #tpu.memory_space<hbm>>) target(%arg8 : memref<128xi32, #tpu.memory_space<vmem>>) target_semaphore(%arg14 : memref<!tpu.dma_semaphore, #tpu.memory_space<semaphore_mem>>)
        %add3A_150 = arith.addi %sub3A_21, %mul3A_86 : i32
        %add3A_151 = arith.constant 2 : i32
        %add3A_152 = arith.addi %add3A_150, %add3A_151 : i32
        %dma_start3A_153 = arith.constant 0 : i32
        %dma_start3A_154 = tpu.memref_slice %arg7[%add3A_152, %dma_start3A_153] : memref<88x128xi32, #tpu.memory_space<vmem>> -> memref<1x128xi32, #tpu.memory_space<vmem>>
        %dma_start3A_155 = tpu.memref_squeeze %dma_start3A_154 : memref<1x128xi32, #tpu.memory_space<vmem>> -> memref<128xi32, #tpu.memory_space<vmem>>
        %dma_start3A_156 = arith.constant 0 : i32
        %dma_start3A_157 = arith.constant 0 : i32
        %dma_start3A_158 = tpu.memref_slice %arg2[%dma_start3A_156, %dma_start3A_157] : memref<10000x128xf32, #tpu.memory_space<hbm>> -> memref<10000x128xf32, #tpu.memory_space<hbm>>
        tpu.enqueue_indirect_dma source(%dma_start3A_158 : memref<10000x128xf32, #tpu.memory_space<hbm>>) target(%arg10 : memref<128x128xf32, #tpu.memory_space<vmem>>) offsets(%dma_start3A_155 : memref<128xi32, #tpu.memory_space<vmem>>) semaphore(%arg16 : memref<!tpu.dma_semaphore, #tpu.memory_space<semaphore_mem>>)
      } else {
      }
      %add3A_123 = arith.addi %sub3A_21, %mul3A_86 : i32
      %add3A_124 = arith.constant 1 : i32
      %add3A_125 = arith.addi %add3A_123, %add3A_124 : i32
      %dma_wait3A_126 = arith.constant 0 : i32
      %dma_wait3A_127 = tpu.memref_slice %arg7[%add3A_125, %dma_wait3A_126] : memref<88x128xi32, #tpu.memory_space<vmem>> -> memref<1x128xi32, #tpu.memory_space<vmem>>
      %dma_wait3A_128 = tpu.memref_squeeze %dma_wait3A_127 : memref<1x128xi32, #tpu.memory_space<vmem>> -> memref<128xi32, #tpu.memory_space<vmem>>
      %dma_wait3A_129 = arith.constant 0 : i32
      %dma_wait3A_130 = arith.constant 0 : i32
      %dma_wait3A_131 = tpu.memref_slice %arg2[%dma_wait3A_129, %dma_wait3A_130] : memref<10000x128xf32, #tpu.memory_space<hbm>> -> memref<10000x128xf32, #tpu.memory_space<hbm>>
      tpu.wait_indirect_dma semaphore(%arg17 : memref<!tpu.dma_semaphore, #tpu.memory_space<semaphore_mem>>) src(%dma_wait3A_131 : memref<10000x128xf32, #tpu.memory_space<hbm>>) dst(%arg11 : memref<128x128xf32, #tpu.memory_space<vmem>>)
      %add3A_132 = arith.addi %mul3A_2, %mul3A_86 : i32
      %add3A_133 = arith.constant 1 : i32
      %add3A_134 = arith.addi %add3A_132, %add3A_133 : i32
      %dma_wait3A_135 = arith.constant 0 : i32
      %dma_wait3A_136 = tpu.memref_slice %arg4[%add3A_134, %dma_wait3A_135] : memref<2536x128xi32, #tpu.memory_space<hbm>> -> memref<1x128xi32, #tpu.memory_space<hbm>>
      %dma_wait3A_137 = tpu.memref_squeeze %dma_wait3A_136 : memref<1x128xi32, #tpu.memory_space<hbm>> -> memref<128xi32, #tpu.memory_space<hbm>>
      %dma_wait3A_138 = arith.constant 0 : i32
      %dma_wait3A_139 = tpu.memref_slice %arg4[%add3A_134, %dma_wait3A_138] : memref<2536x128xi32, #tpu.memory_space<hbm>> -> memref<1x128xi32, #tpu.memory_space<hbm>>
      %dma_wait3A_140 = tpu.memref_squeeze %dma_wait3A_139 : memref<1x128xi32, #tpu.memory_space<hbm>> -> memref<128xi32, #tpu.memory_space<hbm>>
      tpu.wait_dma2 semaphore(%arg15 : memref<!tpu.dma_semaphore, #tpu.memory_space<semaphore_mem>>) src(%dma_wait3A_140 : memref<128xi32, #tpu.memory_space<hbm>>) dst(%arg9 : memref<128xi32, #tpu.memory_space<vmem>>)
      "tpu.region"() ({
        %run_scoped3A = tpu.sem_alloc : memref<!tpu.dma_semaphore, #tpu.memory_space<semaphore_mem>>
        %dma_start3A_141 = arith.constant 0 : i32
        %dma_start3A_142 = arith.constant 0 : i32
        %dma_start3A_143 = tpu.memref_slice %arg12[%dma_start3A_141, %dma_start3A_142] : memref<10240x128xf32, #tpu.memory_space<vmem_shared>> -> memref<10240x128xf32, #tpu.memory_space<vmem_shared>>
        tpu.enqueue_indirect_dma source(%arg11 : memref<128x128xf32, #tpu.memory_space<vmem>>) target(%dma_start3A_143 : memref<10240x128xf32, #tpu.memory_space<vmem_shared>>) offsets(%arg9 : memref<128xi32, #tpu.memory_space<vmem>>) semaphore(%run_scoped3A : memref<!tpu.dma_semaphore, #tpu.memory_space<semaphore_mem>>) {add = true}
        %dma_wait3A_144 = arith.constant 0 : i32
        %dma_wait3A_145 = arith.constant 0 : i32
        %dma_wait3A_146 = tpu.memref_slice %arg12[%dma_wait3A_144, %dma_wait3A_145] : memref<10240x128xf32, #tpu.memory_space<vmem_shared>> -> memref<10240x128xf32, #tpu.memory_space<vmem_shared>>
        tpu.wait_indirect_dma semaphore(%run_scoped3A : memref<!tpu.dma_semaphore, #tpu.memory_space<semaphore_mem>>) src(%arg11 : memref<128x128xf32, #tpu.memory_space<vmem>>) dst(%dma_wait3A_146 : memref<10240x128xf32, #tpu.memory_space<vmem_shared>>)
        tpu.yield
      }) : () -> ()
    }
    %scan3A_46 = arith.constant 39 : i32
    %add3A_47 = arith.constant 78 : i32
    %add3A_48 = arith.addi %mul3A_2, %add3A_47 : i32
    %dma_start3A_49 = arith.constant 0 : i32
    %dma_start3A_50 = tpu.memref_slice %arg4[%add3A_48, %dma_start3A_49] : memref<2536x128xi32, #tpu.memory_space<hbm>> -> memref<1x128xi32, #tpu.memory_space<hbm>>
    %dma_start3A_51 = tpu.memref_squeeze %dma_start3A_50 : memref<1x128xi32, #tpu.memory_space<hbm>> -> memref<128xi32, #tpu.memory_space<hbm>>
    %dma_start3A_52 = arith.constant 0 : i32
    %dma_start3A_53 = tpu.memref_slice %arg4[%add3A_48, %dma_start3A_52] : memref<2536x128xi32, #tpu.memory_space<hbm>> -> memref<1x128xi32, #tpu.memory_space<hbm>>
    %dma_start3A_54 = tpu.memref_squeeze %dma_start3A_53 : memref<1x128xi32, #tpu.memory_space<hbm>> -> memref<128xi32, #tpu.memory_space<hbm>>
    tpu.enqueue_dma source(%dma_start3A_54 : memref<128xi32, #tpu.memory_space<hbm>>) target(%arg8 : memref<128xi32, #tpu.memory_space<vmem>>) target_semaphore(%arg14 : memref<!tpu.dma_semaphore, #tpu.memory_space<semaphore_mem>>)
    %add3A_55 = arith.constant 78 : i32
    %add3A_56 = arith.addi %sub3A_21, %add3A_55 : i32
    %dma_start3A_57 = arith.constant 0 : i32
    %dma_start3A_58 = tpu.memref_slice %arg7[%add3A_56, %dma_start3A_57] : memref<88x128xi32, #tpu.memory_space<vmem>> -> memref<1x128xi32, #tpu.memory_space<vmem>>
    %dma_start3A_59 = tpu.memref_squeeze %dma_start3A_58 : memref<1x128xi32, #tpu.memory_space<vmem>> -> memref<128xi32, #tpu.memory_space<vmem>>
    %dma_start3A_60 = arith.constant 0 : i32
    %dma_start3A_61 = arith.constant 0 : i32
    %dma_start3A_62 = tpu.memref_slice %arg2[%dma_start3A_60, %dma_start3A_61] : memref<10000x128xf32, #tpu.memory_space<hbm>> -> memref<10000x128xf32, #tpu.memory_space<hbm>>
    tpu.enqueue_indirect_dma source(%dma_start3A_62 : memref<10000x128xf32, #tpu.memory_space<hbm>>) target(%arg10 : memref<128x128xf32, #tpu.memory_space<vmem>>) offsets(%dma_start3A_59 : memref<128xi32, #tpu.memory_space<vmem>>) semaphore(%arg16 : memref<!tpu.dma_semaphore, #tpu.memory_space<semaphore_mem>>)
    %add3A_63 = arith.constant 78 : i32
    %add3A_64 = arith.addi %sub3A_21, %add3A_63 : i32
    %dma_wait3A_65 = arith.constant 0 : i32
    %dma_wait3A_66 = tpu.memref_slice %arg7[%add3A_64, %dma_wait3A_65] : memref<88x128xi32, #tpu.memory_space<vmem>> -> memref<1x128xi32, #tpu.memory_space<vmem>>
    %dma_wait3A_67 = tpu.memref_squeeze %dma_wait3A_66 : memref<1x128xi32, #tpu.memory_space<vmem>> -> memref<128xi32, #tpu.memory_space<vmem>>
    %dma_wait3A_68 = arith.constant 0 : i32
    %dma_wait3A_69 = arith.constant 0 : i32
    %dma_wait3A_70 = tpu.memref_slice %arg2[%dma_wait3A_68, %dma_wait3A_69] : memref<10000x128xf32, #tpu.memory_space<hbm>> -> memref<10000x128xf32, #tpu.memory_space<hbm>>
    tpu.wait_indirect_dma semaphore(%arg16 : memref<!tpu.dma_semaphore, #tpu.memory_space<semaphore_mem>>) src(%dma_wait3A_70 : memref<10000x128xf32, #tpu.memory_space<hbm>>) dst(%arg10 : memref<128x128xf32, #tpu.memory_space<vmem>>)
    %add3A_71 = arith.constant 78 : i32
    %add3A_72 = arith.addi %mul3A_2, %add3A_71 : i32
    %dma_wait3A_73 = arith.constant 0 : i32
    %dma_wait3A_74 = tpu.memref_slice %arg4[%add3A_72, %dma_wait3A_73] : memref<2536x128xi32, #tpu.memory_space<hbm>> -> memref<1x128xi32, #tpu.memory_space<hbm>>
    %dma_wait3A_75 = tpu.memref_squeeze %dma_wait3A_74 : memref<1x128xi32, #tpu.memory_space<hbm>> -> memref<128xi32, #tpu.memory_space<hbm>>
    %dma_wait3A_76 = arith.constant 0 : i32
    %dma_wait3A_77 = tpu.memref_slice %arg4[%add3A_72, %dma_wait3A_76] : memref<2536x128xi32, #tpu.memory_space<hbm>> -> memref<1x128xi32, #tpu.memory_space<hbm>>
    %dma_wait3A_78 = tpu.memref_squeeze %dma_wait3A_77 : memref<1x128xi32, #tpu.memory_space<hbm>> -> memref<128xi32, #tpu.memory_space<hbm>>
    tpu.wait_dma2 semaphore(%arg14 : memref<!tpu.dma_semaphore, #tpu.memory_space<semaphore_mem>>) src(%dma_wait3A_78 : memref<128xi32, #tpu.memory_space<hbm>>) dst(%arg8 : memref<128xi32, #tpu.memory_space<vmem>>)
    "tpu.region"() ({
      %run_scoped3A = tpu.sem_alloc : memref<!tpu.dma_semaphore, #tpu.memory_space<semaphore_mem>>
      %dma_start3A_84 = arith.constant 0 : i32
      %dma_start3A_85 = arith.constant 0 : i32
      %dma_start3A_86 = tpu.memref_slice %arg12[%dma_start3A_84, %dma_start3A_85] : memref<10240x128xf32, #tpu.memory_space<vmem_shared>> -> memref<10240x128xf32, #tpu.memory_space<vmem_shared>>
      tpu.enqueue_indirect_dma source(%arg10 : memref<128x128xf32, #tpu.memory_space<vmem>>) target(%dma_start3A_86 : memref<10240x128xf32, #tpu.memory_space<vmem_shared>>) offsets(%arg8 : memref<128xi32, #tpu.memory_space<vmem>>) semaphore(%run_scoped3A : memref<!tpu.dma_semaphore, #tpu.memory_space<semaphore_mem>>) {add = true}
      %dma_wait3A_87 = arith.constant 0 : i32
      %dma_wait3A_88 = arith.constant 0 : i32
      %dma_wait3A_89 = tpu.memref_slice %arg12[%dma_wait3A_87, %dma_wait3A_88] : memref<10240x128xf32, #tpu.memory_space<vmem_shared>> -> memref<10240x128xf32, #tpu.memory_space<vmem_shared>>
      tpu.wait_indirect_dma semaphore(%run_scoped3A : memref<!tpu.dma_semaphore, #tpu.memory_space<semaphore_mem>>) src(%arg10 : memref<128x128xf32, #tpu.memory_space<vmem>>) dst(%dma_wait3A_89 : memref<10240x128xf32, #tpu.memory_space<vmem_shared>>)
      tpu.yield
    }) : () -> ()
    %barrier3A_79 = arith.constant 0 : index
    tpu.barrier barrier_id(%barrier3A_79)
    %mul3A_80 = arith.constant 640 : i32
    %mul3A_81 = arith.muli %arg1, %mul3A_80 : i32
    %mul3A_82 = arith.constant 640 : i32
    %mul3A_83 = arith.muli %arg1, %mul3A_82 : i32
    "tpu.region"() ({
      %run_scoped3A = tpu.sem_alloc : memref<!tpu.dma_semaphore, #tpu.memory_space<semaphore_mem>>
      %dma_start3A_84 = arith.constant 0 : i32
      %dma_start3A_85 = tpu.memref_slice %arg6[%arg0, %mul3A_83, %dma_start3A_84] : memref<2x10240x128xf32, #tpu.memory_space<hbm>> -> memref<1x640x128xf32, #tpu.memory_space<hbm>>
      %dma_start3A_86 = tpu.memref_squeeze %dma_start3A_85 : memref<1x640x128xf32, #tpu.memory_space<hbm>> -> memref<640x128xf32, #tpu.memory_space<hbm>>
      %dma_start3A_87 = arith.constant 0 : i32
      %dma_start3A_88 = tpu.memref_slice %arg12[%mul3A_81, %dma_start3A_87] : memref<10240x128xf32, #tpu.memory_space<vmem_shared>> -> memref<640x128xf32, #tpu.memory_space<vmem_shared>>
      tpu.enqueue_dma source(%dma_start3A_88 : memref<640x128xf32, #tpu.memory_space<vmem_shared>>) target(%dma_start3A_86 : memref<640x128xf32, #tpu.memory_space<hbm>>) target_semaphore(%run_scoped3A : memref<!tpu.dma_semaphore, #tpu.memory_space<semaphore_mem>>)
      %dma_wait3A_89 = arith.constant 0 : i32
      %dma_wait3A_90 = tpu.memref_slice %arg6[%arg0, %mul3A_83, %dma_wait3A_89] : memref<2x10240x128xf32, #tpu.memory_space<hbm>> -> memref<1x640x128xf32, #tpu.memory_space<hbm>>
      %dma_wait3A_91 = tpu.memref_squeeze %dma_wait3A_90 : memref<1x640x128xf32, #tpu.memory_space<hbm>> -> memref<640x128xf32, #tpu.memory_space<hbm>>
      %dma_wait3A_92 = arith.constant 0 : i32
      %dma_wait3A_93 = tpu.memref_slice %arg12[%mul3A_81, %dma_wait3A_92] : memref<10240x128xf32, #tpu.memory_space<vmem_shared>> -> memref<640x128xf32, #tpu.memory_space<vmem_shared>>
      tpu.wait_dma2 semaphore(%run_scoped3A : memref<!tpu.dma_semaphore, #tpu.memory_space<semaphore_mem>>) src(%dma_wait3A_93 : memref<640x128xf32, #tpu.memory_space<vmem_shared>>) dst(%dma_wait3A_91 : memref<640x128xf32, #tpu.memory_space<hbm>>)
      tpu.yield
    }) : () -> ()
    return
  }
}

module attributes {stable_mosaic.version = 14 : i64} {
  func.func @_pre_body(%arg0: i32, %arg1: memref<2000x128xf32, #tpu.memory_space<vmem>>, %arg2: memref<128x128xf32, #tpu.memory_space<vmem>>, %arg3: memref<1x128xf32, #tpu.memory_space<vmem>>, %arg4: memref<2000x128xf32, #tpu.memory_space<vmem>>) attributes {dimension_semantics = [#tpu.dimension_semantics<arbitrary>], iteration_bounds = array<i64: 5>, scalar_prefetch = 0 : i64, scratch_operands = 0 : i64, tpu.core_type = #tpu.core_type<tc>, window_params = [{transform_indices = @transform_0, window_bounds = array<i64: 2000, 128>}, {pipeline_mode = #tpu.pipeline_mode<synchronous>, transform_indices = @transform_1, window_bounds = array<i64: 128, 128>}, {pipeline_mode = #tpu.pipeline_mode<synchronous>, transform_indices = @transform_2, window_bounds = array<i64: 1, 128>}, {transform_indices = @transform_3, window_bounds = array<i64: 2000, 128>}]} {
    %get3A = arith.constant 0 : index
    %get3A_0 = arith.constant 0 : index
    %get3A_1 = vector.load %arg1[%get3A, %get3A_0] : memref<2000x128xf32, #tpu.memory_space<vmem>>, vector<2000x128xf32>
    %get3A_2 = arith.constant 0 : index
    %get3A_3 = arith.constant 0 : index
    %get3A_4 = vector.load %arg2[%get3A_2, %get3A_3] : memref<128x128xf32, #tpu.memory_space<vmem>>, vector<128x128xf32>
    %get3A_5 = arith.constant 0 : index
    %get3A_6 = arith.constant 0 : index
    %get3A_7 = vector.load %arg3[%get3A_5, %get3A_6] : memref<1x128xf32, #tpu.memory_space<vmem>>, vector<1x128xf32>
    %mul3A = arith.mulf %get3A_1, %get3A_1 : vector<2000x128xf32>
    %reduce_sum3A = arith.constant dense<0.000000e+00> : vector<2000xf32>
    %reduce_sum3A_8 = vector.multi_reduction <add>, %mul3A, %reduce_sum3A [1] : vector<2000x128xf32> to vector<2000xf32>
    %broadcast_in_dim3A = vector.shape_cast %reduce_sum3A_8 : vector<2000xf32> to vector<2000x1xf32>
    %sqrt3A = math.sqrt %broadcast_in_dim3A : vector<2000x1xf32>
    %jit3A = arith.constant 1.000000e-15 : f32
    %max3A = vector.broadcast %jit3A : f32 to vector<2000x1xf32>
    %max3A_9 = arith.maximumf %max3A, %sqrt3A : vector<2000x1xf32>
    %dot_general3A = arith.constant dense<0.000000e+00> : vector<2000x128xf32>
    %dot_general3A_10 = tpu.matmul %get3A_1, %get3A_4, %dot_general3A {dimension_numbers = #tpu.dot_dimension_numbers<[1], [1], [0], [0], [0, 0, 1, 0], [], []>, transpose_lhs_hint = false} : vector<2000x128xf32>, vector<128x128xf32>, vector<2000x128xf32> -> vector<2000x128xf32>
    %mul3A_11 = arith.mulf %dot_general3A_10, %dot_general3A_10 : vector<2000x128xf32>
    %reduce_sum3A_12 = arith.constant dense<0.000000e+00> : vector<2000xf32>
    %reduce_sum3A_13 = vector.multi_reduction <add>, %mul3A_11, %reduce_sum3A_12 [1] : vector<2000x128xf32> to vector<2000xf32>
    %broadcast_in_dim3A_14 = vector.shape_cast %reduce_sum3A_13 : vector<2000xf32> to vector<2000x1xf32>
    %sqrt3A_15 = math.sqrt %broadcast_in_dim3A_14 : vector<2000x1xf32>
    %jit3A_16 = arith.constant 1.000000e-15 : f32
    %max3A_17 = vector.broadcast %jit3A_16 : f32 to vector<2000x1xf32>
    %max3A_18 = arith.maximumf %max3A_17, %sqrt3A_15 : vector<2000x1xf32>
    %div3A = arith.divf %max3A_18, %max3A_9 : vector<2000x1xf32>
    %min3A = arith.constant 3.10636711 : f32
    %min3A_19 = vector.broadcast %min3A : f32 to vector<2000x1xf32>
    %min3A_20 = arith.minimumf %max3A_9, %min3A_19 : vector<2000x1xf32>
    %mul3A_21 = arith.mulf %div3A, %min3A_20 : vector<2000x1xf32>
    %tanh3A = math.tanh %mul3A_21 : vector<2000x1xf32>
    %min3A_22 = arith.constant 0.995999991 : f32
    %min3A_23 = vector.broadcast %min3A_22 : f32 to vector<2000x1xf32>
    %min3A_24 = arith.minimumf %tanh3A, %min3A_23 : vector<2000x1xf32>
    %eq3A = arith.constant 0.000000e+00 : f32
    %eq3A_25 = vector.broadcast %eq3A : f32 to vector<2000x1xf32>
    %eq3A_26 = arith.cmpf oeq, %broadcast_in_dim3A_14, %eq3A_25 : vector<2000x1xf32>
    %jit3A_27 = arith.constant 0.000000e+00 : f32
    %broadcast_in_dim3A_28 = vector.broadcast %jit3A_27 : f32 to vector<2000x1xf32>
    %select_n3A = arith.select %eq3A_26, %broadcast_in_dim3A_28, %min3A_24 : vector<2000x1xi1>, vector<2000x1xf32>
    %mul3A_29 = arith.mulf %get3A_7, %get3A_7 : vector<1x128xf32>
    %reduce_sum3A_30 = arith.constant dense<0.000000e+00> : vector<1xf32>
    %reduce_sum3A_31 = vector.multi_reduction <add>, %mul3A_29, %reduce_sum3A_30 [1] : vector<1x128xf32> to vector<1xf32>
    %broadcast_in_dim3A_32 = vector.shape_cast %reduce_sum3A_31 : vector<1xf32> to vector<1x1xf32>
    %sqrt3A_33 = math.sqrt %broadcast_in_dim3A_32 : vector<1x1xf32>
    %jit3A_34 = arith.constant 1.000000e-15 : f32
    %max3A_35 = vector.broadcast %jit3A_34 : f32 to vector<1x1xf32>
    %max3A_36 = arith.maximumf %max3A_35, %sqrt3A_33 : vector<1x1xf32>
    %tanh3A_37 = math.tanh %max3A_36 : vector<1x1xf32>
    %mul3A_38 = vector.broadcast %tanh3A_37 : vector<1x1xf32> to vector<1x128xf32>
    %mul3A_39 = arith.mulf %mul3A_38, %get3A_7 : vector<1x128xf32>
    %div3A_40 = vector.broadcast %max3A_36 : vector<1x1xf32> to vector<1x128xf32>
    %div3A_41 = arith.divf %mul3A_39, %div3A_40 : vector<1x128xf32>
    %mul3A_42 = arith.mulf %div3A_41, %div3A_41 : vector<1x128xf32>
    %reduce_sum3A_43 = arith.constant dense<0.000000e+00> : vector<1xf32>
    %reduce_sum3A_44 = vector.multi_reduction <add>, %mul3A_42, %reduce_sum3A_43 [1] : vector<1x128xf32> to vector<1xf32>
    %broadcast_in_dim3A_45 = vector.shape_cast %reduce_sum3A_44 : vector<1xf32> to vector<1x1xf32>
    %sqrt3A_46 = math.sqrt %broadcast_in_dim3A_45 : vector<1x1xf32>
    %jit3A_47 = arith.constant 1.000000e-15 : f32
    %max3A_48 = vector.broadcast %jit3A_47 : f32 to vector<1x1xf32>
    %max3A_49 = arith.maximumf %max3A_48, %sqrt3A_46 : vector<1x1xf32>
    %gt3A = arith.constant 0.995999991 : f32
    %gt3A_50 = vector.broadcast %gt3A : f32 to vector<1x1xf32>
    %gt3A_51 = arith.cmpf ogt, %max3A_49, %gt3A_50 : vector<1x1xf32>
    %div3A_52 = vector.broadcast %max3A_49 : vector<1x1xf32> to vector<1x128xf32>
    %div3A_53 = arith.divf %div3A_41, %div3A_52 : vector<1x128xf32>
    %mul3A_54 = arith.constant 0.995999991 : f32
    %mul3A_55 = vector.broadcast %mul3A_54 : f32 to vector<1x128xf32>
    %mul3A_56 = arith.mulf %div3A_53, %mul3A_55 : vector<1x128xf32>
    %broadcast_in_dim3A_57 = vector.shape_cast %gt3A_51 : vector<1x1xi1> to vector<1x1xi1>
    %broadcast_in_dim3A_58 = vector.broadcast %broadcast_in_dim3A_57 : vector<1x1xi1> to vector<1x128xi1>
    %select_n3A_59 = arith.select %broadcast_in_dim3A_58, %mul3A_56, %div3A_41 : vector<1x128xi1>, vector<1x128xf32>
    %div3A_60 = arith.divf %select_n3A, %max3A_18 : vector<2000x1xf32>
    %mul3A_61 = arith.mulf %select_n3A, %select_n3A : vector<2000x1xf32>
    %mul3A_62 = arith.mulf %select_n3A_59, %select_n3A_59 : vector<1x128xf32>
    %reduce_sum3A_63 = arith.constant dense<0.000000e+00> : vector<1xf32>
    %reduce_sum3A_64 = vector.multi_reduction <add>, %mul3A_62, %reduce_sum3A_63 [1] : vector<1x128xf32> to vector<1xf32>
    %broadcast_in_dim3A_65 = vector.shape_cast %reduce_sum3A_64 : vector<1xf32> to vector<1x1xf32>
    %dot_general3A_66 = arith.constant dense<0.000000e+00> : vector<2000x1xf32>
    %dot_general3A_67 = tpu.matmul %dot_general3A_10, %select_n3A_59, %dot_general3A_66 {dimension_numbers = #tpu.dot_dimension_numbers<[1], [1], [0], [0], [0, 0, 1, 0], [], []>, transpose_lhs_hint = false} : vector<2000x128xf32>, vector<1x128xf32>, vector<2000x1xf32> -> vector<2000x1xf32>
    %mul3A_68 = arith.mulf %div3A_60, %dot_general3A_67 : vector<2000x1xf32>
    %mul3A_69 = arith.constant 2.000000e+00 : f32
    %mul3A_70 = vector.broadcast %mul3A_69 : f32 to vector<2000x1xf32>
    %mul3A_71 = arith.mulf %mul3A_70, %mul3A_68 : vector<2000x1xf32>
    %add3A = arith.constant 1.000000e+00 : f32
    %add3A_72 = vector.broadcast %add3A : f32 to vector<2000x1xf32>
    %add3A_73 = arith.addf %add3A_72, %mul3A_71 : vector<2000x1xf32>
    %add3A_74 = vector.broadcast %broadcast_in_dim3A_65 : vector<1x1xf32> to vector<2000x1xf32>
    %add3A_75 = arith.addf %add3A_73, %add3A_74 : vector<2000x1xf32>
    %mul3A_76 = arith.mulf %add3A_75, %div3A_60 : vector<2000x1xf32>
    %mul3A_77 = vector.broadcast %mul3A_76 : vector<2000x1xf32> to vector<2000x128xf32>
    %mul3A_78 = arith.mulf %mul3A_77, %dot_general3A_10 : vector<2000x128xf32>
    %sub3A = arith.constant 1.000000e+00 : f32
    %sub3A_79 = vector.broadcast %sub3A : f32 to vector<2000x1xf32>
    %sub3A_80 = arith.subf %sub3A_79, %mul3A_61 : vector<2000x1xf32>
    %mul3A_81 = vector.broadcast %sub3A_80 : vector<2000x1xf32> to vector<2000x128xf32>
    %mul3A_82 = vector.broadcast %select_n3A_59 : vector<1x128xf32> to vector<2000x128xf32>
    %mul3A_83 = arith.mulf %mul3A_81, %mul3A_82 : vector<2000x128xf32>
    %add3A_84 = arith.addf %mul3A_78, %mul3A_83 : vector<2000x128xf32>
    %mul3A_85 = arith.constant 2.000000e+00 : f32
    %mul3A_86 = vector.broadcast %mul3A_85 : f32 to vector<2000x1xf32>
    %mul3A_87 = arith.mulf %mul3A_86, %mul3A_68 : vector<2000x1xf32>
    %add3A_88 = arith.constant 1.000000e+00 : f32
    %add3A_89 = vector.broadcast %add3A_88 : f32 to vector<2000x1xf32>
    %add3A_90 = arith.addf %add3A_89, %mul3A_87 : vector<2000x1xf32>
    %mul3A_91 = vector.broadcast %broadcast_in_dim3A_65 : vector<1x1xf32> to vector<2000x1xf32>
    %mul3A_92 = arith.mulf %mul3A_61, %mul3A_91 : vector<2000x1xf32>
    %add3A_93 = arith.addf %add3A_90, %mul3A_92 : vector<2000x1xf32>
    %jit3A_94 = arith.constant 1.000000e-15 : f32
    %max3A_95 = vector.broadcast %jit3A_94 : f32 to vector<2000x1xf32>
    %max3A_96 = arith.maximumf %max3A_95, %add3A_93 : vector<2000x1xf32>
    %div3A_97 = vector.broadcast %max3A_96 : vector<2000x1xf32> to vector<2000x128xf32>
    %div3A_98 = arith.divf %add3A_84, %div3A_97 : vector<2000x128xf32>
    %mul3A_99 = arith.mulf %div3A_98, %div3A_98 : vector<2000x128xf32>
    %reduce_sum3A_100 = arith.constant dense<0.000000e+00> : vector<2000xf32>
    %reduce_sum3A_101 = vector.multi_reduction <add>, %mul3A_99, %reduce_sum3A_100 [1] : vector<2000x128xf32> to vector<2000xf32>
    %broadcast_in_dim3A_102 = vector.shape_cast %reduce_sum3A_101 : vector<2000xf32> to vector<2000x1xf32>
    %sqrt3A_103 = math.sqrt %broadcast_in_dim3A_102 : vector<2000x1xf32>
    %jit3A_104 = arith.constant 1.000000e-15 : f32
    %max3A_105 = vector.broadcast %jit3A_104 : f32 to vector<2000x1xf32>
    %max3A_106 = arith.maximumf %max3A_105, %sqrt3A_103 : vector<2000x1xf32>
    %min3A_107 = arith.constant 0.995999991 : f32
    %min3A_108 = vector.broadcast %min3A_107 : f32 to vector<2000x1xf32>
    %min3A_109 = arith.minimumf %max3A_106, %min3A_108 : vector<2000x1xf32>
    %jit3A_110 = arith.constant -0.99999988 : f32
    %jit3A_111 = arith.constant 0.99999988 : f32
    %max3A_112 = vector.broadcast %jit3A_110 : f32 to vector<2000x1xf32>
    %max3A_113 = arith.maximumf %max3A_112, %min3A_109 : vector<2000x1xf32>
    %min3A_114 = vector.broadcast %jit3A_111 : f32 to vector<2000x1xf32>
    %min3A_115 = arith.minimumf %min3A_114, %max3A_113 : vector<2000x1xf32>
    %log1p3A = math.log1p %min3A_115 : vector<2000x1xf32>
    %neg3A = arith.constant 0.000000e+00 : f32
    %neg3A_116 = vector.broadcast %neg3A : f32 to vector<2000x1xf32>
    %neg3A_117 = arith.subf %neg3A_116, %min3A_115 : vector<2000x1xf32>
    %log1p3A_118 = math.log1p %neg3A_117 : vector<2000x1xf32>
    %sub3A_119 = arith.subf %log1p3A, %log1p3A_118 : vector<2000x1xf32>
    %mul3A_120 = arith.constant 5.000000e-01 : f32
    %mul3A_121 = vector.broadcast %mul3A_120 : f32 to vector<2000x1xf32>
    %mul3A_122 = arith.mulf %mul3A_121, %sub3A_119 : vector<2000x1xf32>
    %div3A_123 = arith.divf %mul3A_122, %min3A_109 : vector<2000x1xf32>
    %gt3A_124 = arith.constant 0.995999991 : f32
    %gt3A_125 = vector.broadcast %gt3A_124 : f32 to vector<2000x1xf32>
    %gt3A_126 = arith.cmpf ogt, %max3A_106, %gt3A_125 : vector<2000x1xf32>
    %div3A_127 = arith.constant 0.995999991 : f32
    %div3A_128 = vector.broadcast %div3A_127 : f32 to vector<2000x1xf32>
    %div3A_129 = arith.divf %div3A_128, %max3A_106 : vector<2000x1xf32>
    %jit3A_130 = arith.constant 1.000000e+00 : f32
    %broadcast_in_dim3A_131 = vector.broadcast %jit3A_130 : f32 to vector<2000x1xf32>
    %select_n3A_132 = arith.select %gt3A_126, %div3A_129, %broadcast_in_dim3A_131 : vector<2000x1xi1>, vector<2000x1xf32>
    %mul3A_133 = arith.mulf %div3A_123, %select_n3A_132 : vector<2000x1xf32>
    %mul3A_134 = vector.broadcast %mul3A_133 : vector<2000x1xf32> to vector<2000x128xf32>
    %mul3A_135 = arith.mulf %mul3A_134, %div3A_98 : vector<2000x128xf32>
    %swap3A = arith.constant 0 : index
    %swap3A_136 = arith.constant 0 : index
    %swap3A_137 = vector.load %arg4[%swap3A, %swap3A_136] : memref<2000x128xf32, #tpu.memory_space<vmem>>, vector<2000x128xf32>
    tpu.vector_store %arg4[%swap3A, %swap3A_136], %mul3A_135 {strides = array<i32>} : memref<2000x128xf32, #tpu.memory_space<vmem>>, vector<2000x128xf32>,
    return
  }
  func.func @transform_0(%arg0: i32) -> (i32, i32) {
    %c0_i32 = arith.constant 0 : i32
    %c0_i32_0 = arith.constant 0 : i32
    return %arg0, %c0_i32 : i32, i32
  }
  func.func @transform_1(%arg0: i32) -> (i32, i32) {
    %c0_i32 = arith.constant 0 : i32
    %c0_i32_0 = arith.constant 0 : i32
    %c0_i32_1 = arith.constant 0 : i32
    return %c0_i32, %c0_i32_0 : i32, i32
  }
  func.func @transform_2(%arg0: i32) -> (i32, i32) {
    %c0_i32 = arith.constant 0 : i32
    %c0_i32_0 = arith.constant 0 : i32
    %c0_i32_1 = arith.constant 0 : i32
    return %c0_i32, %c0_i32_0 : i32, i32
  }
  func.func @transform_3(%arg0: i32) -> (i32, i32) {
    %c0_i32 = arith.constant 0 : i32
    %c0_i32_0 = arith.constant 0 : i32
    return %arg0, %c0_i32 : i32, i32
  }
}

module attributes {stable_mosaic.version = 14 : i64} {
  func.func @_post_body(%arg0: i32, %arg1: memref<2x2000x128xf32, #tpu.memory_space<vmem>>, %arg2: memref<2000x128xf32, #tpu.memory_space<vmem>>) attributes {dimension_semantics = [#tpu.dimension_semantics<arbitrary>], iteration_bounds = array<i64: 5>, scalar_prefetch = 0 : i64, scratch_operands = 0 : i64, tpu.core_type = #tpu.core_type<tc>, window_params = [{transform_indices = @transform_0, window_bounds = array<i64: 2, 2000, 128>}, {transform_indices = @transform_1, window_bounds = array<i64: 2000, 128>}]} {
    %get3A = arith.constant 0 : index
    %get3A_0 = arith.constant 0 : index
    %get3A_1 = arith.constant 0 : index
    %get3A_2 = vector.load %arg1[%get3A, %get3A_0, %get3A_1] : memref<2x2000x128xf32, #tpu.memory_space<vmem>>, vector<1x2000x128xf32>
    %get3A_3 = vector.shape_cast %get3A_2 : vector<1x2000x128xf32> to vector<2000x128xf32>
    %get3A_4 = arith.constant 1 : index
    %get3A_5 = arith.constant 0 : index
    %get3A_6 = arith.constant 0 : index
    %get3A_7 = vector.load %arg1[%get3A_4, %get3A_5, %get3A_6] : memref<2x2000x128xf32, #tpu.memory_space<vmem>>, vector<1x2000x128xf32>
    %get3A_8 = vector.shape_cast %get3A_7 : vector<1x2000x128xf32> to vector<2000x128xf32>
    %add3A = arith.addf %get3A_3, %get3A_8 : vector<2000x128xf32>
    %max3A = arith.constant 0.000000e+00 : f32
    %max3A_9 = vector.broadcast %max3A : f32 to vector<2000x128xf32>
    %max3A_10 = arith.maximumf %add3A, %max3A_9 : vector<2000x128xf32>
    %mul3A = arith.mulf %add3A, %add3A : vector<2000x128xf32>
    %reduce_sum3A = arith.constant dense<0.000000e+00> : vector<2000xf32>
    %reduce_sum3A_11 = vector.multi_reduction <add>, %mul3A, %reduce_sum3A [1] : vector<2000x128xf32> to vector<2000xf32>
    %broadcast_in_dim3A = vector.shape_cast %reduce_sum3A_11 : vector<2000xf32> to vector<2000x1xf32>
    %sqrt3A = math.sqrt %broadcast_in_dim3A : vector<2000x1xf32>
    %jit3A = arith.constant 1.000000e-15 : f32
    %max3A_12 = vector.broadcast %jit3A : f32 to vector<2000x1xf32>
    %max3A_13 = arith.maximumf %max3A_12, %sqrt3A : vector<2000x1xf32>
    %mul3A_14 = arith.mulf %max3A_10, %max3A_10 : vector<2000x128xf32>
    %reduce_sum3A_15 = arith.constant dense<0.000000e+00> : vector<2000xf32>
    %reduce_sum3A_16 = vector.multi_reduction <add>, %mul3A_14, %reduce_sum3A_15 [1] : vector<2000x128xf32> to vector<2000xf32>
    %broadcast_in_dim3A_17 = vector.shape_cast %reduce_sum3A_16 : vector<2000xf32> to vector<2000x1xf32>
    %sqrt3A_18 = math.sqrt %broadcast_in_dim3A_17 : vector<2000x1xf32>
    %min3A = arith.constant 3.10636711 : f32
    %min3A_19 = vector.broadcast %min3A : f32 to vector<2000x1xf32>
    %min3A_20 = arith.minimumf %max3A_13, %min3A_19 : vector<2000x1xf32>
    %div3A = arith.divf %min3A_20, %max3A_13 : vector<2000x1xf32>
    %mul3A_21 = arith.mulf %div3A, %sqrt3A_18 : vector<2000x1xf32>
    %jit3A_22 = arith.constant 1.000000e-15 : f32
    %max3A_23 = vector.broadcast %jit3A_22 : f32 to vector<2000x1xf32>
    %max3A_24 = arith.maximumf %max3A_23, %mul3A_21 : vector<2000x1xf32>
    %tanh3A = math.tanh %max3A_24 : vector<2000x1xf32>
    %min3A_25 = arith.constant 0.995999991 : f32
    %min3A_26 = vector.broadcast %min3A_25 : f32 to vector<2000x1xf32>
    %min3A_27 = arith.minimumf %tanh3A, %min3A_26 : vector<2000x1xf32>
    %div3A_28 = arith.divf %min3A_27, %max3A_24 : vector<2000x1xf32>
    %mul3A_29 = arith.mulf %div3A_28, %div3A : vector<2000x1xf32>
    %mul3A_30 = vector.broadcast %mul3A_29 : vector<2000x1xf32> to vector<2000x128xf32>
    %mul3A_31 = arith.mulf %mul3A_30, %max3A_10 : vector<2000x128xf32>
    %swap3A = arith.constant 0 : index
    %swap3A_32 = arith.constant 0 : index
    %swap3A_33 = vector.load %arg2[%swap3A, %swap3A_32] : memref<2000x128xf32, #tpu.memory_space<vmem>>, vector<2000x128xf32>
    tpu.vector_store %arg2[%swap3A, %swap3A_32], %mul3A_31 {strides = array<i32>} : memref<2000x128xf32, #tpu.memory_space<vmem>>, vector<2000x128xf32>,
    return
  }
  func.func @transform_0(%arg0: i32) -> (i32, i32, i32) {
    %c0_i32 = arith.constant 0 : i32
    %c0_i32_0 = arith.constant 0 : i32
    %c0_i32_1 = arith.constant 0 : i32
    return %c0_i32, %arg0, %c0_i32_0 : i32, i32, i32
  }
  func.func @transform_1(%arg0: i32) -> (i32, i32) {
    %c0_i32 = arith.constant 0 : i32
    %c0_i32_0 = arith.constant 0 : i32
    return %arg0, %c0_i32 : i32, i32
  }
}

</mosaic_0001>

<sc_bundles>
// kernel: kernel.5.cloned.1.call-start
scs
__scs_entry_jumppad:
0x0: {  	(pc) =	sbr.rel $0x88, $3  }
0x1: {  	(tag) =	ssettag $0x0;
	lr =	simm.s32 $0x1  }
0x2: {  	[smem:$0x3F9D] =	sst lr;
	_ =	strace $0xD0000000  }
0x3: {  	_ = 	snop  }
0x4: {  	_ = 	snop  }
0x5: {  	_ = 	snop  }
0x6: {  	_ = 	snop  }
0x7: {  	_ = 	snop  }
__scs_overlays_trampoline_lowered:
0x8: {  	[smem:$0x3FAC] =	sst s0  }
0x9: {  	[smem:$0x3FAD] =	sst s1  }
0xa: {  	[smem:$0x3FAE] =	sst s2  }
0xb: {  	[smem:$0x3FAF] =	sst s3  }
0xc: {  	[smem:$0x3FB0] =	sst s4  }
0xd: {  	[smem:$0x3FB1] =	sst s5  }
0xe: {  	[smem:$0x3FB2] =	sst s6  }
0xf: {  	[smem:$0x3FB3] =	sst s7  }
0x10: {  	[smem:$0x3FB4] =	sst s8  }
0x11: {  	[smem:$0x3FB5] =	sst s9;
	s0 =	simm.s32 @!p0 $0x0  }
0x12: {  	s1 =	sld [smem:$0x3F9B];
	s0 =	simm.s32 @p0 $0x1  }
0x13: {  	[smem:$0x3FB6] =	sst s0;
	s0 =	simm.s32 @!p1 $0x0  }
0x14: {  	s2 =	sld [smem:$0x3F9A];
	s0 =	simm.s32 @p1 $0x1  }
0x15: {  	[smem:$0x3FB7] =	sst s0;
	s0 =	simm.s32 @!p2 $0x0  }
0x16: {  	s3 =	sld [smem:$0x3FDB];
	s0 =	simm.s32 @p2 $0x1  }
0x17: {  	s4 =	simm.s32 $0x1BF5;
	[smem:$0x3FB9] =	sst s0  }
0x18: {  	s0 =	sld [smem:$0x3F9C];
	_ =	swait.ge [sflag:s4], $0x0  }
0x19: {  	s7 =	sld [smem:$0x3F9D]  }
0x1a: {  	s8 =	sadd.s32 $0xFFFFE003, lr  }
0x1b: {  	s9 =	sadd.s32 $0xFFFFFEF7, lr;
	s5 =	simm.s32 $0xFFFFFFFF;
	p2 =	slt.u32 s8, $0xFFFFF086  }
0x1c: {  	p1 =	slt.u32 s9, $0xF7A;
	s5 =	simm.s32 @!p2 $0x0  }
0x1d: {  	s5 =	simm.s32 @p1 $0x1;
	p0 =	seq.s32 s7, s2  }
0x1e: {  	s7 =	smul.u32 @!p0 $0xF7A, s2;
	p2 =	seq.s32 @!p0 s5, $0x0  }
0x1f: {  	s9 =	smul.u32 $0xF7A, s1;
	s8 =	simm.s32 @!p0 $0x1BF5;
	p2 =	por !p2, p0  }
0x20: {  	[sflag:s8] =	ssyncset.s32 @!p0 $0xFFFFF086;
	s6 =	sadd.s32 @!p0 s3, s7;
	s7 =	simm.s32 @!p0 $0x108  }
0x21: {  	s3 =	sadd.s32 s3, s9;
	s6 =	sadd.s32 @!p0 $0x88, s6;
	s7 =	simm.s32 @p2 $0x1082  }
0x22: {  	[simem:s7], [sflag:s8] =	dma.local @!p0 [hbm:s6], $0xF7A  }
0x23: {  	s9 =	sor.u32 $0xD0000000, s2;
	s6 =	simm.s32 $0x108;
	_ =	swait.ge @!p0 [sflag:s8], $0x0  }
0x24: {  	s3 =	sadd.s32 $0x88, s3;
	s6 =	simm.s32 @!p1 $0x1082;
	[sflag:s4] =	ssyncset.s32 $0xFFFFF086  }
0x25: {  	[simem:s6], [sflag:s4] =	dma.local [hbm:s3], $0xF7A  }
0x26: {  	[smem:$0x3F9D] =	sst s1;
	(tag) =	ssettag s2;
	_ =	strace s9  }
0x27: {  	s1 =	sld [smem:$0x3FAD]  }
0x28: {  	s2 =	sld [smem:$0x3FAE]  }
0x29: {  	s4 =	sld [smem:$0x3FB0]  }
0x2a: {  	p0 =	seq.s32 s5, $0x0;
	s5 =	sld [smem:$0x3FB1]  }
0x2b: {  	s6 =	sld [smem:$0x3FB2]  }
0x2c: {  	s7 =	sld [smem:$0x3FB3]  }
0x2d: {  	s3 =	simm.s32 $0x108;
	s8 =	sld [smem:$0x3FB4]  }
0x2e: {  	s3 =	simm.s32 @!p0 $0x1082;
	s9 =	sld [smem:$0x3FB5]  }
0x2f: {  	lr =	sadd.s32 s0, s3;
	s0 =	sld [smem:$0x3FAC]  }
0x30: {  	s3 =	sld [smem:$0x3FAF]  }
0x31: {  	[smem:$0x3FB8] =	sst s10  }
0x32: {  	s10 =	sld [smem:$0x3FB6];
	_ =	sdelay $0x3  }
0x33: {  	p0 =	seq.s32 s10, $0x1;
	s10 =	sld [smem:$0x3FB8];
	_ =	sdelay $0x3  }
0x34: {  	[smem:$0x3FB8] =	sst s10  }
0x35: {  	s10 =	sld [smem:$0x3FB7];
	_ =	sdelay $0x3  }
0x36: {  	p1 =	seq.s32 s10, $0x1;
	s10 =	sld [smem:$0x3FB8];
	_ =	sdelay $0x3  }
0x37: {  	[smem:$0x3FB8] =	sst s10  }
0x38: {  	s10 =	sld [smem:$0x3FB9]  }
0x39: {  	_ = 	snop;
	(pc) =	sbr.ind lr, $3  }
0x3a: {  	_ = 	snop  }
0x3b: {  	_ = 	snop  }
0x3c: {  	p2 =	seq.s32 s10, $0x1;
	s10 =	sld [smem:$0x3FB8]  }
0x3d: {  	_ =	shalt  }
0x3e: {  	_ =	shalt  }
0x3f: {  	_ =	shalt  }
0x40: {  	_ =	shalt  }
0x41: {  	_ =	shalt  }
0x42: {  	_ =	shalt  }
0x43: {  	_ =	shalt  }
0x44: {  	_ =	shalt  }
0x45: {  	_ =	shalt  }
0x46: {  	_ =	shalt  }
0x47: {  	_ =	shalt  }
0x48: {  	_ =	shalt  }
0x49: {  	_ =	shalt  }
0x4a: {  	_ =	shalt  }
0x4b: {  	_ =	shalt  }
0x4c: {  	_ =	shalt  }
0x4d: {  	_ =	shalt  }
0x4e: {  	_ =	shalt  }
0x4f: {  	_ =	shalt  }
0x50: {  	_ =	shalt  }
0x51: {  	_ =	shalt  }
0x52: {  	_ =	shalt  }
0x53: {  	_ =	shalt  }
0x54: {  	_ =	shalt  }
0x55: {  	_ =	shalt  }
0x56: {  	_ =	shalt  }
0x57: {  	_ =	shalt  }
0x58: {  	_ =	shalt  }
0x59: {  	_ =	shalt  }
0x5a: {  	_ =	shalt  }
0x5b: {  	_ =	shalt  }
0x5c: {  	_ =	shalt  }
0x5d: {  	_ =	shalt  }
0x5e: {  	_ =	shalt  }
0x5f: {  	_ =	shalt  }
0x60: {  	_ =	shalt  }
0x61: {  	_ =	shalt  }
0x62: {  	_ =	shalt  }
0x63: {  	_ =	shalt  }
0x64: {  	_ =	shalt  }
0x65: {  	_ =	shalt  }
0x66: {  	_ =	shalt  }
0x67: {  	_ =	shalt  }
0x68: {  	_ =	shalt  }
0x69: {  	_ =	shalt  }
0x6a: {  	_ =	shalt  }
0x6b: {  	_ =	shalt  }
0x6c: {  	_ =	shalt  }
0x6d: {  	_ =	shalt  }
0x6e: {  	_ =	shalt  }
0x6f: {  	_ =	shalt  }
0x70: {  	_ =	shalt  }
0x71: {  	_ =	shalt  }
0x72: {  	_ =	shalt  }
0x73: {  	_ =	shalt  }
0x74: {  	_ =	shalt  }
0x75: {  	_ =	shalt  }
0x76: {  	_ =	shalt  }
0x77: {  	_ =	shalt  }
0x78: {  	_ =	shalt  }
0x79: {  	_ =	shalt  }
0x7a: {  	_ =	shalt  }
0x7b: {  	_ =	shalt  }
0x7c: {  	_ =	shalt  }
0x7d: {  	_ =	shalt  }
0x7e: {  	_ =	shalt  }
0x7f: {  	_ =	shalt  }
0x80: {  	_ =	shalt  }
0x81: {  	_ =	shalt  }
0x82: {  	_ =	shalt  }
0x83: {  	_ =	shalt  }
0x84: {  	_ =	shalt  }
0x85: {  	_ =	shalt  }
0x86: {  	_ =	shalt  }
0x87: {  	_ =	shalt  }
.Lfunc_end0:
.L_simem_size_0:
called_computation_lowered:
.L_overlay_start_0:
0x88: {  	s2 =	sld [smem:$0x3FD9]  }
0x89: {  	s3 =	sld [smem:$0x3FFE];
	_ =	sdelay $0x1  }
0x8a: {  	s1 =	srdreg.scid  }
0x8b: {  	s0 =	sand.u32 $0x1, s1  }
0x8c: {  	s17 =	sshll.u32 s0, $0xA;
	s2 =	sadd.s32 s3, s2  }
0x8d: {  	s2 =	sadd.s32 s2, s17  }
0x8e: {  	[smem:$0x3FC4] =	sst s2  }
0x8f: {  	_ = 	snop  }
0x90: {  	s2 =	sld [smem:$0x3FD0];
	(tm) =	ssettm $0x1  }
0x91: {  	s18 =	sld [smem:$0x3FFB];
	_ =	sdelay $0x3  }
0x92: {  	_ =	strace s18  }
0x93: {  	s3 =	sld [smem:$0x3FFC];
	_ =	sdelay $0x3  }
0x94: {  	_ =	strace s3  }
0x95: {  	s3 =	sld [smem:$0x3FFD];
	_ =	sdelay $0x3  }
0x96: {  	_ =	strace s3  }
0x97: {  	_ =	strace $0x8FFFFFFF  }
0x98: {  	s19 =	sld [smem:$0x3FDB];
	_ =	sdelay $0x1  }
0x99: {  	s4 =	simm.s32 $_scs_section_size  }
0x9a: {  	s5 =	simm.s32 $_size__tile_overlayer_lowered;
	s6 =	simm.s32 $_tile_overlayer_lowered  }
0x9b: {  	s22 =	simm.s32 $0x1BFF;
	s21 =	sshll.u32 s6, $0x1;
	s3 =	sadd.s32 s4, s19  }
0x9c: {  	s7 =	simm.s32 $0x0;
	s20 =	sshll.u32 s5, $0x1;
	s5 =	sadd.s32 s21, s3  }
0x9d: {  	[timem:s7], [sflag:s22] =	dma.local [hbm:s5], s20  }
0x9e: {  	_ =	swait.ge [sflag:s22], s20  }
0x9f: {  	s4 =	ssub.s32 $0x0, s20;
	[sflag:s22] =	ssyncset.done $0x0  }
0xa0: {  	[sflag:s22] =	ssyncadd.s32 s4;
	_ =	sdelay $0x1  }
0xa1: {  	s23 =	simm.s32 $0x1B8B  }
0xa2: {  	_ =	swait.ge [sflag:s23], $0x1  }
0xa3: {  	[sflag:s23] =	ssyncset.done $0x0  }
0xa4: {  	s25 =	simm.s32 $0x1B8E;
	s24 =	sld [smem:$0x3FFE];
	[sflag:s23] =	ssyncadd.s32 $0xFFFFFFFF  }
0xa5: {  	s26 =	simm.s32 $execute0_lowered;
	[smem:$0x3FD2] =	sst s25  }
0xa6: {  	s5 =	sshll.u32 s26, $0x1;
	_ =	strace $0x80000046;
	[dreg:$0x1] =	wrdreg $0xFFFFFFFF  }
0xa7: {  	s28 =	simm.s32 $_size_execute0_lowered;
	s3 =	sadd.s32 s3, s5;
	[dreg:$0x0] =	wrdreg $0x0  }
0xa8: {  	s5 =	sshll.u32 s28, $0x1;
	[dreg:$0x2] =	wrdreg s3  }
0xa9: {  	[dreg:$0x3] =	wrdreg s5  }
0xaa: {  	[dreg:$0x4] =	wrdreg $0xC0  }
0xab: {  	_ =	task [dreg:s7], $0x5FFFF  }
0xac: {  	[dreg:$0x1] =	wrdreg $0xFFFFFFFF  }
0xad: {  	[dreg:$0x0] =	wrdreg $0x60  }
0xae: {  	[dreg:$0x2] =	wrdreg s2  }
0xaf: {  	[dreg:$0x3] =	wrdreg s24  }
0xb0: {  	[dreg:$0x4] =	wrdreg $0xAD000  }
0xb1: {  	[dreg:$0x5] =	wrdreg $0x9  }
0xb2: {  	_ =	task.clear_ibuf [dreg:s7], $0x6FFFF;
	_ =	strace $0x90000046  }
0xb3: {  	s29 =	simm.s32 $0x9;
	_ =	strace $0x80000048  }
0xb4: {  	_ =	swait.ge [sflag:s29], $0x1  }
0xb5: {  	[sflag:s29] =	ssyncadd.s32 $0xFFFFFFFF  }
0xb6: {  	_ =	strace $0x90000048  }
0xb7: {  	_ =	sfence  }
0xb8: {  	s30 =	sld [smem:$0x0];
	_ =	sdelay $0x2  }
0xb9: {  	s31 =	sshll.u32 s1, $0xD;
	s1 =	sshrl.u32 s1, $0x2  }
0xba: {  	s3 =	sand.u32 $0x4000, s31;
	s1 =	sadd.s32 s1, s30  }
0xbb: {  	s0 =	sor.u32 s3, s0;
	s1 =	sshll.u32 s1, $0x11  }
0xbc: {  	s0 =	sor.u32 s1, s0  }
0xbd: {  	s0 =	sadd.s32 $0x8F2B, s0  }
0xbe: {  	[sflag:s0] =	ssyncadd.remote.s32 $0x1  }
0xbf: {  	_ =	sfence.sel $0xFFFF  }
0xc0: {  	[dreg:$0x0] =	wrdreg $0xFFFFFFFF;
	(pc) =	sbr.abs _section_cstart, $3  }
0xc1: {  	[dreg:$0x1] =	wrdreg $0xFFFFFFFF  }
0xc2: {  	_ =	task.clear_ibuf [dreg:s7], $0x2FFFF;
	_ =	strace $0x9FFFFFFF  }
0xc3: {  	(tm) =	ssettm $0x7FFFFFFF  }
tec
execute0_lowered:
.L_overlay_start_1:
0x0: {  	(tag) =	ssettag $0x1  }
0x1: {  	s1 =	rddreg [dreg:$0x0]  }
0x2: {  	s0 =	srdreg.scid;
	s5 =	rddreg [dreg:$0x1]  }
0x3: {  	s15 =	stileid.u32;
	s3 =	rddreg [dreg:$0x2]  }
0x4: {  	s4 =	simm.s32 $0x0;
	s28 =	simm.s32 $0x2;
	s29 =	simm.s32 $0x5  }
0x5: {  	s30 =	simm.s32 $0x3;
	s31 =	simm.s32 $0x0;
	s0 =	sand.u32 $0x1, s0  }
0x6: {  	[smem:$0x7FF] =	sst s4;
	s8 =	smul.u32 $0x14000, s15;
	s16 =	sadd.s32 $0xA800, s5  }
0x7: {  	s9 =	sadd.s32 $0x14800, s5;
	s12 =	smul.u32 $0x50000, s15;
	s18 =	ssub.s32 $0x0, s15  }
0x8: {  	s22 =	sshll.u32 s15, $0x6;
	s26 =	smul.u32 $0x4F0, s15;
	s2 =	sshll.u32 s0, $0x4  }
0x9: {  	s6 =	smul.u32 $0x140000, s0;
	_ =	strace $0x80000047;
	[dreg:$0x4] =	wrdreg s9  }
0xa: {  	s11 =	ssub.s32 $0x2, s0;
	s0 =	smul.u32 $0x4F00, s0;
	s2 =	sor.u32 s15, s2  }
0xb: {  	s17 =	sshrl.u32 s11, $0x1;
	s20 =	sshrl.u32 s12, $0x2;
	s14 =	smul.u32 $0x4F0, s2  }
0xc: {  	s6 =	sadd.s32 s8, s6;
	s10 =	smul.u32 $0x2780, s2;
	s13 =	ssub.s32 s11, s17  }
0xd: {  	s2 =	smul.u32 $0x380, s2;
	s11 =	sand.u32 $0x7, s18;
	s18 =	sadd.s32 s20, s3  }
0xe: {  	s0 =	sadd.s32 s0, s16;
	s20 =	simm.s32 $0x1;
	s6 =	sshrl.u32 s6, $0x3  }
0xf: {  	s9 =	sshll.u32 s11, $0x7;
	s13 =	smax.u32 s13, $0x1;
	s18 =	sshrl.u32 s18, $0x3  }
0x10: {  	s7 =	sand.u32 $0xFF80, s14;
	s21 =	sand.u32 $0x7FC00, s10;
	s2 =	sand.u32 $0x380, s2  }
0x11: {  	s23 =	sshrl.u32 s10, $0x3;
	s11 =	sadd.s32 $0x2700, s9;
	s25 =	sadd.s32 s16, s14  }
0x12: {  	s15 =	sadd.s32 $0x2680, s9;
	s17 =	sadd.s32 $0x100, s9;
	s7 =	sadd.s32 s7, s5  }
0x13: {  	s5 =	sadd.s32 s6, s5;
	s2 =	sor.u32 s2, s21;
	s10 =	sadd.s32 s16, s23  }
0x14: {  	s14 =	sadd.s32 $0x4D0, s25;
	s21 =	simm.s32 $0x2C00;
	s23 =	simm.s32 $0x2D00  }
0x15: {  	s25 =	simm.s32 $0x6D00;
	s19 =	sadd.s32 $0x800, s7;
	s7 =	sor.u32 $0x1C06, s22  }
0x16: {  	s2 =	sshrl.u32 s2, $0x3;
	s24 =	sadd.s32 $0x4E0, s10;
	s12 =	sadd.s32 $0x17000, s5  }
0x17: {  	s22 =	simm.s32 $0x80;
	[dreg:$0x5] =	wrdreg s19;
	s2 =	sadd.s32 s16, s2  }
0x18: {  	[dreg:$0x7] =	wrdreg s24;
	s16 =	sadd.s32 s26, s0;
	s19 =	simm.s32 $0x6  }
0x19: {  	s24 =	simm.s32 $0x2C80;
	s26 =	simm.s32 $0x4;
	[dreg:$0x6] =	wrdreg s2  }
.LBB2_1:
0x1a: {  	s0 =	rddreg [dreg:$0x5]  }
0x1b: {  	s5 =	rddreg [dreg:$0x4]  }
0x1c: {  	[tilespmem:s4], [sflag:$0x1] =	stream.linear.gather [hbm4b:s0+s4], $0x2C00, $0x38;
	[tilespmem:$0x1ED00] =	vst v63  }
0x1d: {  	[spmem:s18], [sflag:s7] =	dma.local [hbm:s5], $0x2800  }
0x1e: {  	_ =	swait.ge [sflag:s19], $0x2800  }
0x1f: {  	[sflag:s19] =	ssyncset.done $0x0  }
0x20: {  	[sflag:s19] =	ssyncadd.s32 $0xFFFFD800  }
0x21: {  	_ =	swait.ge [sflag:s20], $0x2C00  }
0x22: {  	[sflag:s20] =	ssyncset.done $0x0  }
0x23: {  	[sflag:s20] =	ssyncadd.s32 $0xFFFFD400  }
0x24: {  	[bflag:$0x0] =	sbarrier.arrive $0xFFFF  }
0x25: {  	s6 =	rddreg [dreg:$0x6]  }
0x26: {  	[tilespmem:s21], [sflag:$0x2] =	stream.linear.gather [hbm4b:s6+s4], $0x80, $0x38;
	[tilespmem:$0x1ED00] =	vst v63  }
0x27: {  	s8 =	sadd.s32 $0x0, s16  }
0x28: {  	[tilespmem:s23], [sflag:$0x4] =	stream.indirect.gather [hbm4b:s1+s22], $0x80, s9, s22, $0xb8;
	[tilespmem:$0x1ED00] =	vst v63  }
0x29: {  	s2 =	sadd.s32 $0x10, s8  }
0x2a: {  	[tilespmem:s24], [sflag:$0x3] =	stream.linear.gather [hbm4b:s2+s4], $0x80, $0x38;
	[tilespmem:$0x1ED00] =	vst v63  }
0x2b: {  	s10 =	sadd.s32 $0xFFFFFF80, s17  }
0x2c: {  	[tilespmem:s25], [sflag:$0x5] =	stream.indirect.gather [hbm4b:s1+s22], $0x80, s10, s22, $0xb8;
	[tilespmem:$0x1ED00] =	vst v63  }
0x2d: {  	_ =	swait.ge [sflag:s26], $0x4000  }
0x2e: {  	[sflag:s26] =	ssyncset.done $0x0  }
0x2f: {  	[sflag:s26] =	ssyncadd.s32 $0xFFFFC000  }
0x30: {  	_ =	swait.ge [sflag:s28], $0x80  }
0x31: {  	[sflag:s28] =	ssyncset.done $0x0  }
0x32: {  	[sflag:s28] =	ssyncadd.s32 $0xFFFFFF80  }
0x33: {  	[spmem:s3] =	stream.indirect.scatter.add.f32 [tilespmem:s23], [sflag:$0x6], $0x80, s21, s22, $0xb8;
	[tilespmem:$0x1ED00] =	vst v63  }
0x34: {  	_ =	swait.ge [sflag:s19], $0x4000  }
0x35: {  	[sflag:s19] =	ssyncset.done $0x0  }
0x36: {  	s0 =	sadd.s32 $0x20, s8;
	[sflag:s19] =	ssyncadd.s32 $0xFFFFC000  }
0x37: {  	[tilespmem:s21], [sflag:$0x2] =	stream.linear.gather [hbm4b:s0+s4], $0x80, $0x38;
	[tilespmem:$0x1ED00] =	vst v63  }
0x38: {  	_ = 	snop  }
0x39: {  	[tilespmem:s23], [sflag:$0x4] =	stream.indirect.gather [hbm4b:s1+s22], $0x80, s17, s22, $0xb8;
	[tilespmem:$0x1ED00] =	vst v63  }
0x3a: {  	_ =	swait.ge [sflag:s29], $0x4000  }
0x3b: {  	[sflag:s29] =	ssyncset.done $0x0  }
0x3c: {  	[sflag:s29] =	ssyncadd.s32 $0xFFFFC000  }
0x3d: {  	_ =	swait.ge [sflag:s30], $0x80  }
0x3e: {  	[sflag:s30] =	ssyncset.done $0x0  }
0x3f: {  	[sflag:s30] =	ssyncadd.s32 $0xFFFFFF80  }
0x40: {  	[spmem:s3] =	stream.indirect.scatter.add.f32 [tilespmem:s25], [sflag:$0x6], $0x80, s24, s22, $0xb8;
	[tilespmem:$0x1ED00] =	vst v63  }
0x41: {  	s5 =	simm.s32 $0x40;
	_ =	swait.ge [sflag:s19], $0x4000  }
0x42: {  	s2 =	sadd.s32 $0x100, s17;
	s0 =	sadd.s32 $0x20, s16;
	[sflag:s19] =	ssyncset.done $0x0  }
.LBB2_2:
0x43: {  	s6 =	sadd.s32 $0x10, s0  }
0x44: {  	[sflag:s19] =	ssyncadd.s32 $0xFFFFC000;
	s8 =	smov.u32 s5;
	s10 =	sadd.s32 $0x20, s5  }
0x45: {  	[tilespmem:s24], [sflag:$0x3] =	stream.linear.gather [hbm4b:s6+s4], $0x80, $0x38;
	[tilespmem:$0x1ED00] =	vst v63  }
0x46: {  	p0 =	sne.s32 s5, $0x4A0;
	s5 =	sadd.s32 $0xFFFFFF80, s2  }
0x47: {  	[tilespmem:s25], [sflag:$0x5] =	stream.indirect.gather [hbm4b:s1+s22], $0x80, s5, s22, $0xb8;
	[tilespmem:$0x1ED00] =	vst v63  }
0x48: {  	_ =	swait.ge [sflag:s26], $0x4000  }
0x49: {  	[sflag:s26] =	ssyncset.done $0x0  }
0x4a: {  	[sflag:s26] =	ssyncadd.s32 $0xFFFFC000  }
0x4b: {  	_ =	swait.ge [sflag:s28], $0x80  }
0x4c: {  	[sflag:s28] =	ssyncset.done $0x0  }
0x4d: {  	[sflag:s28] =	ssyncadd.s32 $0xFFFFFF80  }
0x4e: {  	[spmem:s3] =	stream.indirect.scatter.add.f32 [tilespmem:s23], [sflag:$0x6], $0x80, s21, s22, $0xb8;
	[tilespmem:$0x1ED00] =	vst v63  }
0x4f: {  	_ =	swait.ge [sflag:s19], $0x4000  }
0x50: {  	[sflag:s19] =	ssyncset.done $0x0  }
0x51: {  	s0 =	sadd.s32 $0x20, s0;
	[sflag:s19] =	ssyncadd.s32 $0xFFFFC000  }
0x52: {  	[tilespmem:s21], [sflag:$0x2] =	stream.linear.gather [hbm4b:s0+s4], $0x80, $0x38;
	[tilespmem:$0x1ED00] =	vst v63  }
0x53: {  	_ = 	snop  }
0x54: {  	[tilespmem:s23], [sflag:$0x4] =	stream.indirect.gather [hbm4b:s1+s22], $0x80, s2, s22, $0xb8;
	[tilespmem:$0x1ED00] =	vst v63  }
0x55: {  	_ =	swait.ge [sflag:s29], $0x4000  }
0x56: {  	[sflag:s29] =	ssyncset.done $0x0  }
0x57: {  	[sflag:s29] =	ssyncadd.s32 $0xFFFFC000  }
0x58: {  	_ =	swait.ge [sflag:s30], $0x80  }
.Ltmp0:
0x59: {  	[sflag:s30] =	ssyncset.done $0x0;
	(pc) =	sbr.rel @p0 .LBB2_2-.Ltmp0, $4  }
0x5a: {  	[sflag:s30] =	ssyncadd.s32 $0xFFFFFF80  }
0x5b: {  	[spmem:s3] =	stream.indirect.scatter.add.f32 [tilespmem:s25], [sflag:$0x6], $0x80, s24, s22, $0xb8;
	[tilespmem:$0x1ED00] =	vst v63  }
0x5c: {  	s5 =	smov.u32 s10;
	_ =	swait.ge [sflag:s19], $0x4000  }
0x5d: {  	s0 =	sadd.s32 s8, s16;
	s2 =	sadd.s32 $0x100, s2;
	[sflag:s19] =	ssyncset.done $0x0  }
0x5e: {  	s5 =	sadd.s32 $0x10, s0;
	[sflag:s19] =	ssyncadd.s32 $0xFFFFC000  }
0x5f: {  	[tilespmem:s24], [sflag:$0x3] =	stream.linear.gather [hbm4b:s5+s4], $0x80, $0x38;
	[tilespmem:$0x1ED00] =	vst v63  }
0x60: {  	s6 =	sadd.s32 $0xFFFFFF80, s2  }
0x61: {  	[tilespmem:s25], [sflag:$0x5] =	stream.indirect.gather [hbm4b:s1+s22], $0x80, s6, s22, $0xb8;
	[tilespmem:$0x1ED00] =	vst v63  }
0x62: {  	_ =	swait.ge [sflag:s26], $0x4000  }
0x63: {  	[sflag:s26] =	ssyncset.done $0x0  }
0x64: {  	[sflag:s26] =	ssyncadd.s32 $0xFFFFC000  }
0x65: {  	_ =	swait.ge [sflag:s28], $0x80  }
0x66: {  	[sflag:s28] =	ssyncset.done $0x0  }
0x67: {  	[sflag:s28] =	ssyncadd.s32 $0xFFFFFF80  }
0x68: {  	[spmem:s3] =	stream.indirect.scatter.add.f32 [tilespmem:s23], [sflag:$0x6], $0x80, s21, s22, $0xb8;
	[tilespmem:$0x1ED00] =	vst v63  }
0x69: {  	_ =	swait.ge [sflag:s19], $0x4000  }
0x6a: {  	[sflag:s19] =	ssyncset.done $0x0  }
0x6b: {  	s8 =	sadd.s32 $0x20, s0;
	[sflag:s19] =	ssyncadd.s32 $0xFFFFC000  }
0x6c: {  	[tilespmem:s21], [sflag:$0x2] =	stream.linear.gather [hbm4b:s8+s4], $0x80, $0x38;
	[tilespmem:$0x1ED00] =	vst v63  }
0x6d: {  	_ = 	snop  }
0x6e: {  	[tilespmem:s23], [sflag:$0x4] =	stream.indirect.gather [hbm4b:s1+s22], $0x80, s2, s22, $0xb8;
	[tilespmem:$0x1ED00] =	vst v63  }
0x6f: {  	_ =	swait.ge [sflag:s29], $0x4000  }
0x70: {  	[sflag:s29] =	ssyncset.done $0x0  }
0x71: {  	[sflag:s29] =	ssyncadd.s32 $0xFFFFC000  }
0x72: {  	_ =	swait.ge [sflag:s30], $0x80  }
0x73: {  	[sflag:s30] =	ssyncset.done $0x0  }
0x74: {  	[sflag:s30] =	ssyncadd.s32 $0xFFFFFF80  }
0x75: {  	[spmem:s3] =	stream.indirect.scatter.add.f32 [tilespmem:s25], [sflag:$0x6], $0x80, s24, s22, $0xb8;
	[tilespmem:$0x1ED00] =	vst v63  }
0x76: {  	_ =	swait.ge [sflag:s19], $0x4000  }
0x77: {  	[sflag:s19] =	ssyncset.done $0x0  }
0x78: {  	[sflag:s19] =	ssyncadd.s32 $0xFFFFC000  }
0x79: {  	[tilespmem:s24], [sflag:$0x3] =	stream.linear.gather [hbm4b:s14+s4], $0x80, $0x38;
	[tilespmem:$0x1ED00] =	vst v63  }
0x7a: {  	_ = 	snop  }
0x7b: {  	[tilespmem:s25], [sflag:$0x5] =	stream.indirect.gather [hbm4b:s1+s22], $0x80, s15, s22, $0xb8;
	[tilespmem:$0x1ED00] =	vst v63  }
0x7c: {  	_ =	swait.ge [sflag:s26], $0x4000  }
0x7d: {  	[sflag:s26] =	ssyncset.done $0x0  }
0x7e: {  	[sflag:s26] =	ssyncadd.s32 $0xFFFFC000  }
0x7f: {  	_ =	swait.ge [sflag:s28], $0x80  }
0x80: {  	[sflag:s28] =	ssyncset.done $0x0  }
0x81: {  	[sflag:s28] =	ssyncadd.s32 $0xFFFFFF80  }
0x82: {  	[spmem:s3] =	stream.indirect.scatter.add.f32 [tilespmem:s23], [sflag:$0x6], $0x80, s21, s22, $0xb8;
	[tilespmem:$0x1ED00] =	vst v63  }
0x83: {  	_ =	swait.ge [sflag:s19], $0x4000  }
0x84: {  	[sflag:s19] =	ssyncset.done $0x0  }
0x85: {  	[sflag:s19] =	ssyncadd.s32 $0xFFFFC000  }
0x86: {  	_ =	swait.ge [sflag:s29], $0x4000  }
0x87: {  	[sflag:s29] =	ssyncset.done $0x0  }
0x88: {  	[sflag:s29] =	ssyncadd.s32 $0xFFFFC000  }
0x89: {  	_ =	swait.ge [sflag:s30], $0x80  }
0x8a: {  	[sflag:s30] =	ssyncset.done $0x0  }
0x8b: {  	[sflag:s30] =	ssyncadd.s32 $0xFFFFFF80  }
0x8c: {  	[spmem:s3] =	stream.indirect.scatter.add.f32 [tilespmem:s25], [sflag:$0x6], $0x80, s24, s22, $0xb8;
	[tilespmem:$0x1ED00] =	vst v63  }
0x8d: {  	_ =	swait.ge [sflag:s19], $0x4000  }
0x8e: {  	[sflag:s19] =	ssyncset.done $0x0  }
0x8f: {  	s10 =	rddreg [dreg:$0x7];
	[sflag:s19] =	ssyncadd.s32 $0xFFFFC000  }
0x90: {  	[tilespmem:s21], [sflag:$0x2] =	stream.linear.gather [hbm4b:s10+s4], $0x80, $0x38;
	[tilespmem:$0x1ED00] =	vst v63  }
0x91: {  	_ = 	snop  }
0x92: {  	[tilespmem:s23], [sflag:$0x4] =	stream.indirect.gather [hbm4b:s1+s22], $0x80, s11, s22, $0xb8;
	[tilespmem:$0x1ED00] =	vst v63  }
0x93: {  	_ =	swait.ge [sflag:s26], $0x4000  }
0x94: {  	[sflag:s26] =	ssyncset.done $0x0  }
0x95: {  	[sflag:s26] =	ssyncadd.s32 $0xFFFFC000  }
0x96: {  	_ =	swait.ge [sflag:s28], $0x80  }
0x97: {  	[sflag:s28] =	ssyncset.done $0x0  }
0x98: {  	[sflag:s28] =	ssyncadd.s32 $0xFFFFFF80  }
0x99: {  	[spmem:s3] =	stream.indirect.scatter.add.f32 [tilespmem:s23], [sflag:$0x6], $0x80, s21, s22, $0xb8;
	[tilespmem:$0x1ED00] =	vst v63  }
0x9a: {  	_ =	swait.ge [sflag:s19], $0x4000  }
0x9b: {  	s31 =	sadd.s32 $0x1, s31;
	[sflag:s19] =	ssyncset.done $0x0  }
0x9c: {  	p0 =	sne.s32 s31, s13;
	[sflag:s19] =	ssyncadd.s32 $0xFFFFC000  }
.Ltmp1:
0x9d: {  	[bflag:$0x0] =	sbarrier.arrive $0xFFFF;
	(pc) =	sbr.rel @p0 .LBB2_1-.Ltmp1, $4  }
0x9e: {  	[hbm:s12], [sflag:s7] =	dma.local [spmem:s18], $0x2800  }
0x9f: {  	_ =	swait.ge [sflag:s19], $0x2800  }
0xa0: {  	[sflag:s19] =	ssyncset.done $0x0  }
0xa1: {  	[sflag:s19] =	ssyncadd.s32 $0xFFFFD800  }
0xa2: {  	_ =	sfence.sel $0x180000  }
0xa3: {  	[bflag:$0x0] =	sbarrier.arrive $0xFFFF  }
0xa4: {  	_ =	strace $0x90000047  }
0xa5: {  	s0 =	stileid.u32;
	[bflag:$0x2] =	sbarrier.arrive $0xFFFF  }
0xa6: {  	p0 =	sne.s32 s0, $0x0;
	s0 =	rddreg [dreg:$0x3]  }
0xa7: {  	s0 =	sadd.s32 @!p0 $0x100000, s0  }
0xa8: {  	[sflag:s0] =	ssyncadd.tile.s32 @!p0 $0x1;
	_ =	shalt  }
.Lfunc_end2:
_tile_overlayer_lowered:
.L_overlay_start_2:
0xa9: {  	(tag) =	ssettag $0x2  }
0xaa: {  	s0 =	rddreg [dreg:$0x0];
	s2 =	stileid.u32  }
0xab: {  	s1 =	rddreg [dreg:$0x1];
	p0 =	sne.s32 s2, $0x0  }
0xac: {  	s3 =	rddreg [dreg:$0x2];
	[bflag:$0x3] =	sbarrier.arrive $0xFFFF;
	s2 =	simm.s32 @!p0 $0x1C06  }
0xad: {  	[timem:s3], [sflag:s2] =	dma.local @!p0 [hbm:s0], s1  }
0xae: {  	s0 =	simm.s32 @!p0 $0x6  }
0xaf: {  	_ =	swait.ge @!p0 [sflag:s0], s1  }
0xb0: {  	s1 =	ssub.s32 @!p0 $0x0, s1;
	[sflag:s0] =	ssyncset.done @!p0 $0x0  }
0xb1: {  	[sflag:s0] =	ssyncadd.s32 @!p0 s1  }
0xb2: {  	[bflag:$0x3] =	sbarrier.arrive $0xFFFF  }
0xb3: {  	_ =	shalt  }

</sc_bundles>
